<compile_context>
chip_gen: v7x
topology: tpu7x:2x2x1
jax: 0.10.2.dev20260603
libtpu: 0.0.44.dev20260713+nightly
codegen_flags: <defaults>
</compile_context>

<pallas_src>
import functools

import jax
import jax.numpy as jnp
from jax.experimental import pallas as pl

N_USERS = 10000
H = 3
DH = 32
D = H * DH
TU = 400
TE = 1280
NEG = -1e30


def _matmul_kernel(x_ref, w_ref, b_ref, o_ref, *, act):
    o = jnp.dot(x_ref[...], w_ref[...], preferred_element_type=jnp.float32)
    o = o + b_ref[...]
    if act == "relu":
        o = jnp.maximum(o, 0.0)
    o_ref[...] = o


def _matmul(x, w, b, act=None, bm=2000):
    m, k = x.shape
    n = w.shape[1]
    mp = ((m + bm - 1) // bm) * bm
    if mp != m:
        x = jnp.pad(x, ((0, mp - m), (0, 0)))
    out = pl.pallas_call(
        functools.partial(_matmul_kernel, act=act),
        grid=(mp // bm,),
        in_specs=[
            pl.BlockSpec((bm, k), lambda i: (i, 0)),
            pl.BlockSpec((k, n), lambda i: (0, 0)),
            pl.BlockSpec((1, n), lambda i: (0, 0)),
        ],
        out_specs=pl.BlockSpec((bm, n), lambda i: (i, 0)),
        out_shape=jax.ShapeDtypeStruct((mp, n), jnp.float32),
    )(x, w, b.reshape(1, n))
    return out[:m]


def _pair_scores(qs, ms, mask_shape):
    pairs = []
    for h in range(H):
        p = qs[:, h][:, None] + ms[h, :][None, :]
        pairs.append(jnp.where(p > 0, p, 0.2 * p))
    return pairs


def _smax_kernel(qs_ref, ms_ref, src_ref, o_ref):
    u = pl.program_id(0)
    e = pl.program_id(1)
    uids = u * TU + jax.lax.broadcasted_iota(jnp.int32, (TU, TE), 0)
    mask = src_ref[...] == uids
    qs = qs_ref[...]
    ms = ms_ref[...]
    cols = []
    for p in _pair_scores(qs, ms, (TU, TE)):
        cols.append(jnp.where(mask, p, NEG).max(axis=1, keepdims=True))
    val = jnp.concatenate(cols, axis=1)

    @pl.when(e == 0)
    def _init():
        o_ref[...] = val

    @pl.when(e != 0)
    def _acc():
        o_ref[...] = jnp.maximum(o_ref[...], val)


def _ssum_kernel(qs_ref, smax_ref, ms_ref, src_ref, mh_ref, ssum_ref, num_ref):
    u = pl.program_id(0)
    e = pl.program_id(1)
    uids = u * TU + jax.lax.broadcasted_iota(jnp.int32, (TU, TE), 0)
    mask = src_ref[...] == uids
    qs = qs_ref[...]
    ms = ms_ref[...]
    smax = smax_ref[...]
    mh = mh_ref[...]
    ss_cols = []
    num_cols = []
    for h, p in enumerate(_pair_scores(qs, ms, (TU, TE))):
        ex = jnp.where(mask, jnp.exp(p - smax[:, h][:, None]), 0.0)
        ss_cols.append(ex.sum(axis=1, keepdims=True))
        num_cols.append(
            jnp.dot(ex, mh[:, h * DH:(h + 1) * DH],
                    preferred_element_type=jnp.float32))
    ssv = jnp.concatenate(ss_cols, axis=1)
    numv = jnp.concatenate(num_cols, axis=1)

    @pl.when(e == 0)
    def _init():
        ssum_ref[...] = ssv
        num_ref[...] = numv

    @pl.when(e != 0)
    def _acc():
        ssum_ref[...] += ssv
        num_ref[...] += numv


def _attention_layer(u, qs, ms_t, src2, m):
    nu = u.shape[0]
    ne = src2.shape[1]
    grid = (nu // TU, ne // TE)
    smax = pl.pallas_call(
        _smax_kernel,
        grid=grid,
        in_specs=[
            pl.BlockSpec((TU, H), lambda i, j: (i, 0)),
            pl.BlockSpec((H, TE), lambda i, j: (0, j)),
            pl.BlockSpec((1, TE), lambda i, j: (0, j)),
        ],
        out_specs=pl.BlockSpec((TU, H), lambda i, j: (i, 0)),
        out_shape=jax.ShapeDtypeStruct((nu, H), jnp.float32),
    )(qs, ms_t, src2)
    smax = jnp.where(smax <= NEG * 0.5, 0.0, smax)
    ssum, num = pl.pallas_call(
        _ssum_kernel,
        grid=grid,
        in_specs=[
            pl.BlockSpec((TU, H), lambda i, j: (i, 0)),
            pl.BlockSpec((TU, H), lambda i, j: (i, 0)),
            pl.BlockSpec((H, TE), lambda i, j: (0, j)),
            pl.BlockSpec((1, TE), lambda i, j: (0, j)),
            pl.BlockSpec((TE, D), lambda i, j: (j, 0)),
        ],
        out_specs=[
            pl.BlockSpec((TU, H), lambda i, j: (i, 0)),
            pl.BlockSpec((TU, D), lambda i, j: (i, 0)),
        ],
        out_shape=[
            jax.ShapeDtypeStruct((nu, H), jnp.float32),
            jax.ShapeDtypeStruct((nu, D), jnp.float32),
        ],
    )(qs, smax, ms_t, src2, m)
    msg = num / (jnp.repeat(ssum, DH, axis=1) + 1e-9)
    return u + jax.nn.elu(msg)


def kernel(params, videos, edges, inputs):
    t0, t1, t2, t3, t4, t5 = params["tables"]
    video_states = jnp.concatenate([t0[videos[:, 1]], t2[videos[:, 2]]], axis=1)
    edge_states = jnp.concatenate([
        params["user_embedding"][edges[:, 0]],
        t0[edges[:, 3]], t1[edges[:, 4]], t2[edges[:, 5]], t3[edges[:, 6]],
        t0[edges[:, 7]], t1[edges[:, 8]], t2[edges[:, 9]], t3[edges[:, 10]],
        t4[edges[:, 11]], t5[edges[:, 12]],
    ], axis=1)
    u = _matmul(params["user_embedding"], params["pre_u"]["W"],
                params["pre_u"]["b"], act="relu")
    v = _matmul(video_states, params["pre_v"]["W"], params["pre_v"]["b"],
                act="relu")
    e_proj = _matmul(edge_states, params["pre_e"]["W"], params["pre_e"]["b"],
                     act="relu")
    src_u = edges[:, 0]
    src_v = edges[:, 1]
    xm = jnp.concatenate([v[src_v], e_proj], axis=1)
    src2 = src_u.reshape(1, -1)
    zero_b = jnp.zeros((D,), jnp.float32)
    for p in params["att"]:
        qfull = _matmul(u, p["Wq"], zero_b)
        qs = (qfull.reshape(N_USERS, H, DH) * p["a"][None, :, :DH]).sum(-1)
        wcat = jnp.concatenate([p["Wv"], p["We"]], axis=0)
        m = _matmul(xm, wcat, zero_b)
        ms = (m.reshape(-1, H, DH) * p["a"][None, :, DH:]).sum(-1)
        u = _attention_layer(u, qs, ms.T, src2, m)
    u = params["bn_gamma"] * u / jnp.sqrt(1.0 + 0.001) + params["bn_beta"]
    out_all = _matmul(u, params["out"]["W"], params["out"]["b"])
    return out_all[inputs[:, 0]]

# --- scband reference (transcript-rebuilt; emitter-appended) ---
"""Pipeline reference for scband-hyper-graph-attention-layer-87136296501907 (READ-ONLY COPY).

The authoritative reference and input builder live on the scoring server;
editing this copy changes nothing except your own understanding.
"""

import jax, jax.numpy as jnp
import numpy as np

N_USERS = 10000
N_VIDEOS = 10000
N_EDGES = 160000
H = 3
DH = 32
D = H * DH
EMB = [(100000, 16), (1000, 16), (5000, 16), (1000, 16), (100, 16), (100, 16)]
OUT_DIM = 64
N_LAYERS = 3
BATCH = 4096
VIDEO_IN = EMB[0][1] + EMB[2][1]
EDGE_IN = D + 2 * (EMB[0][1] + EMB[1][1] + EMB[2][1] + EMB[3][1]) + EMB[4][1] + EMB[5][1]


def _dense(k, din, dout):
    k1, k2 = jax.random.split(k)
    return {"W": jax.random.normal(k1, (din, dout)) * (1.0 / np.sqrt(din)), "b": jnp.zeros((dout,))}


def setup_inputs(seed: int = 0):
    key = jax.random.key(seed)
    ks = jax.random.split(key, 40)
    params = {}
    params["user_embedding"] = jax.random.normal(ks[0], (N_USERS, D)) * 0.05
    params["tables"] = [jax.random.normal(ks[1 + i], (v, d)) * 0.05 for i, (v, d) in enumerate(EMB)]
    params["pre_u"] = _dense(ks[8], D, D)
    params["pre_v"] = _dense(ks[9], VIDEO_IN, D)
    params["pre_e"] = _dense(ks[10], EDGE_IN, D)
    att = []
    for l in range(N_LAYERS):
        k1, k2, k3, k4 = jax.random.split(ks[11 + l], 4)
        att.append({
            "Wq": jax.random.normal(k1, (D, D)) * (1.0 / np.sqrt(D)),
            "Wv": jax.random.normal(k2, (D, D)) * (1.0 / np.sqrt(D)),
            "We": jax.random.normal(k3, (D, D)) * (1.0 / np.sqrt(D)),
            "a": jax.random.normal(k4, (H, 2 * DH)) * 0.1,
        })
    params["att"] = att
    params["bn_gamma"] = jnp.ones((D,))
    params["bn_beta"] = jnp.zeros((D,))
    params["out"] = _dense(ks[20], D, OUT_DIM)
    kv = jax.random.split(ks[25], 3)
    videos = jnp.stack([
        jax.random.randint(kv[0], (N_VIDEOS,), 0, N_VIDEOS),
        jax.random.randint(kv[1], (N_VIDEOS,), 0, EMB[0][0]),
        jax.random.randint(kv[2], (N_VIDEOS,), 0, EMB[2][0]),
    ], axis=1).astype(jnp.int32)
    maxes = [N_USERS, N_VIDEOS, N_EDGES, EMB[0][0], EMB[1][0], EMB[2][0], EMB[3][0], EMB[0][0], EMB[1][0], EMB[2][0], EMB[3][0], EMB[4][0], EMB[5][0]]
    ke = jax.random.split(ks[26], 13)
    edges = jnp.stack([jax.random.randint(ke[i], (N_EDGES,), 0, m) for i, m in enumerate(maxes)], axis=1).astype(jnp.int32)
    inputs = jax.random.randint(ks[27], (BATCH, 1), 0, N_USERS).astype(jnp.int32)
    return {"params": params, "videos": videos, "edges": edges, "inputs": inputs}


def _attention(u, v, e, src_u, src_v, p):
    q = (u @ p["Wq"])[src_u]
    m = v[src_v] @ p["Wv"] + e @ p["We"]
    E = q.shape[0]
    qh = q.reshape(E, H, DH)
    mh = m.reshape(E, H, DH)
    feat = jnp.concatenate([qh, mh], axis=-1)
    score = jax.nn.leaky_relu(jnp.einsum('ehd,hd->eh', feat, p["a"]), 0.2)
    smax = jax.ops.segment_max(score, src_u, num_segments=N_USERS)
    smax = jnp.where(jnp.isfinite(smax), smax, 0.0)
    ex = jnp.exp(score - smax[src_u])
    ssum = jax.ops.segment_sum(ex, src_u, num_segments=N_USERS)
    alpha = ex / (ssum[src_u] + 1e-9)
    msg = jax.ops.segment_sum(alpha[:, :, None] * mh, src_u, num_segments=N_USERS)
    return jax.nn.elu(msg.reshape(N_USERS, D))


def _forward(params, videos, edges, inputs):
    tables = params["tables"]
    video_states = jnp.concatenate([tables[0][videos[:, 1]], tables[2][videos[:, 2]]], axis=1)
    edge_states = jnp.concatenate([
        params["user_embedding"][edges[:, 0]],
        tables[0][edges[:, 3]], tables[1][edges[:, 4]], tables[2][edges[:, 5]], tables[3][edges[:, 6]],
        tables[0][edges[:, 7]], tables[1][edges[:, 8]], tables[2][edges[:, 9]], tables[3][edges[:, 10]],
        tables[4][edges[:, 11]], tables[5][edges[:, 12]],
    ], axis=1)
    u = jax.nn.relu(params["user_embedding"] @ params["pre_u"]["W"] + params["pre_u"]["b"])
    v = jax.nn.relu(video_states @ params["pre_v"]["W"] + params["pre_v"]["b"])
    e = jax.nn.relu(edge_states @ params["pre_e"]["W"] + params["pre_e"]["b"])
    src_u = edges[:, 0]
    src_v = edges[:, 1]
    for p in params["att"]:
        u = u + _attention(u, v, e, src_u, src_v, p)
    u = params["bn_gamma"] * u / jnp.sqrt(1.0 + 0.001) + params["bn_beta"]
    out_all = u @ params["out"]["W"] + params["out"]["b"]
    return out_all[inputs[:, 0]]


def reference(params, videos, edges, inputs):
    return _forward(params, videos, edges, inputs)

if __name__ == "__main__":
    import jax
    _d = setup_inputs()
    print(jax.jit(kernel)(*tuple(_d.values())))

</pallas_src>

<mosaic_0001>
module attributes {stable_mosaic.version = 14 : i64} {
  func.func @_matmul_kernel(%arg0: i32, %arg1: memref<2000x96xf32, #tpu.memory_space<vmem>>, %arg2: memref<96x96xf32, #tpu.memory_space<vmem>>, %arg3: memref<1x96xf32, #tpu.memory_space<vmem>>, %arg4: memref<2000x96xf32, #tpu.memory_space<vmem>>) attributes {dimension_semantics = [#tpu.dimension_semantics<arbitrary>], iteration_bounds = array<i64: 5>, scalar_prefetch = 0 : i64, scratch_operands = 0 : i64, tpu.core_type = #tpu.core_type<tc>, window_params = [{transform_indices = @transform_0, window_bounds = array<i64: 2000, 96>}, {pipeline_mode = #tpu.pipeline_mode<synchronous>, transform_indices = @transform_1, window_bounds = array<i64: 96, 96>}, {pipeline_mode = #tpu.pipeline_mode<synchronous>, transform_indices = @transform_2, window_bounds = array<i64: 1, 96>}, {transform_indices = @transform_3, window_bounds = array<i64: 2000, 96>}]} {
    %get3A = arith.constant 0 : index
    %get3A_0 = arith.constant 0 : index
    %get3A_1 = vector.load %arg1[%get3A, %get3A_0] : memref<2000x96xf32, #tpu.memory_space<vmem>>, vector<2000x96xf32>
    %get3A_2 = arith.constant 0 : index
    %get3A_3 = arith.constant 0 : index
    %get3A_4 = vector.load %arg2[%get3A_2, %get3A_3] : memref<96x96xf32, #tpu.memory_space<vmem>>, vector<96x96xf32>
    %dot_general3A = arith.constant dense<0.000000e+00> : vector<2000x96xf32>
    %dot_general3A_5 = tpu.matmul %get3A_1, %get3A_4, %dot_general3A {dimension_numbers = #tpu.dot_dimension_numbers<[1], [0], [0], [1], [0, 0, 1, 1], [], []>, transpose_lhs_hint = false} : vector<2000x96xf32>, vector<96x96xf32>, vector<2000x96xf32> -> vector<2000x96xf32>
    %get3A_6 = arith.constant 0 : index
    %get3A_7 = arith.constant 0 : index
    %get3A_8 = vector.load %arg3[%get3A_6, %get3A_7] : memref<1x96xf32, #tpu.memory_space<vmem>>, vector<1x96xf32>
    %add3A = vector.broadcast %get3A_8 : vector<1x96xf32> to vector<2000x96xf32>
    %add3A_9 = arith.addf %dot_general3A_5, %add3A : vector<2000x96xf32>
    %max3A = arith.constant 0.000000e+00 : f32
    %max3A_10 = vector.broadcast %max3A : f32 to vector<2000x96xf32>
    %max3A_11 = arith.maximumf %add3A_9, %max3A_10 : vector<2000x96xf32>
    %swap3A = arith.constant 0 : index
    %swap3A_12 = arith.constant 0 : index
    %swap3A_13 = vector.load %arg4[%swap3A, %swap3A_12] : memref<2000x96xf32, #tpu.memory_space<vmem>>, vector<2000x96xf32>
    tpu.vector_store %arg4[%swap3A, %swap3A_12], %max3A_11 {strides = array<i32>} : memref<2000x96xf32, #tpu.memory_space<vmem>>, vector<2000x96xf32>,
    return
  }
  func.func @transform_0(%arg0: i32) -> (i32, i32) {
    %c0_i32 = arith.constant 0 : i32
    %c0_i32_0 = arith.constant 0 : i32
    return %arg0, %c0_i32 : i32, i32
  }
  func.func @transform_1(%arg0: i32) -> (i32, i32) {
    %c0_i32 = arith.constant 0 : i32
    %c0_i32_0 = arith.constant 0 : i32
    %c0_i32_1 = arith.constant 0 : i32
    return %c0_i32, %c0_i32_0 : i32, i32
  }
  func.func @transform_2(%arg0: i32) -> (i32, i32) {
    %c0_i32 = arith.constant 0 : i32
    %c0_i32_0 = arith.constant 0 : i32
    %c0_i32_1 = arith.constant 0 : i32
    return %c0_i32, %c0_i32_0 : i32, i32
  }
  func.func @transform_3(%arg0: i32) -> (i32, i32) {
    %c0_i32 = arith.constant 0 : i32
    %c0_i32_0 = arith.constant 0 : i32
    return %arg0, %c0_i32 : i32, i32
  }
}

module attributes {stable_mosaic.version = 14 : i64} {
  func.func @_matmul_kernel(%arg0: i32, %arg1: memref<2000x96xf32, #tpu.memory_space<vmem>>, %arg2: memref<96x96xf32, #tpu.memory_space<vmem>>, %arg3: memref<1x96xf32, #tpu.memory_space<vmem>>, %arg4: memref<2000x96xf32, #tpu.memory_space<vmem>>) attributes {dimension_semantics = [#tpu.dimension_semantics<arbitrary>], iteration_bounds = array<i64: 5>, scalar_prefetch = 0 : i64, scratch_operands = 0 : i64, tpu.core_type = #tpu.core_type<tc>, window_params = [{transform_indices = @transform_0, window_bounds = array<i64: 2000, 96>}, {pipeline_mode = #tpu.pipeline_mode<synchronous>, transform_indices = @transform_1, window_bounds = array<i64: 96, 96>}, {pipeline_mode = #tpu.pipeline_mode<synchronous>, transform_indices = @transform_2, window_bounds = array<i64: 1, 96>}, {transform_indices = @transform_3, window_bounds = array<i64: 2000, 96>}]} {
    %get3A = arith.constant 0 : index
    %get3A_0 = arith.constant 0 : index
    %get3A_1 = vector.load %arg1[%get3A, %get3A_0] : memref<2000x96xf32, #tpu.memory_space<vmem>>, vector<2000x96xf32>
    %get3A_2 = arith.constant 0 : index
    %get3A_3 = arith.constant 0 : index
    %get3A_4 = vector.load %arg2[%get3A_2, %get3A_3] : memref<96x96xf32, #tpu.memory_space<vmem>>, vector<96x96xf32>
    %dot_general3A = arith.constant dense<0.000000e+00> : vector<2000x96xf32>
    %dot_general3A_5 = tpu.matmul %get3A_1, %get3A_4, %dot_general3A {dimension_numbers = #tpu.dot_dimension_numbers<[1], [0], [0], [1], [0, 0, 1, 1], [], []>, transpose_lhs_hint = false} : vector<2000x96xf32>, vector<96x96xf32>, vector<2000x96xf32> -> vector<2000x96xf32>
    %get3A_6 = arith.constant 0 : index
    %get3A_7 = arith.constant 0 : index
    %get3A_8 = vector.load %arg3[%get3A_6, %get3A_7] : memref<1x96xf32, #tpu.memory_space<vmem>>, vector<1x96xf32>
    %add3A = vector.broadcast %get3A_8 : vector<1x96xf32> to vector<2000x96xf32>
    %add3A_9 = arith.addf %dot_general3A_5, %add3A : vector<2000x96xf32>
    %swap3A = arith.constant 0 : index
    %swap3A_10 = arith.constant 0 : index
    %swap3A_11 = vector.load %arg4[%swap3A, %swap3A_10] : memref<2000x96xf32, #tpu.memory_space<vmem>>, vector<2000x96xf32>
    tpu.vector_store %arg4[%swap3A, %swap3A_10], %add3A_9 {strides = array<i32>} : memref<2000x96xf32, #tpu.memory_space<vmem>>, vector<2000x96xf32>,
    return
  }
  func.func @transform_0(%arg0: i32) -> (i32, i32) {
    %c0_i32 = arith.constant 0 : i32
    %c0_i32_0 = arith.constant 0 : i32
    return %arg0, %c0_i32 : i32, i32
  }
  func.func @transform_1(%arg0: i32) -> (i32, i32) {
    %c0_i32 = arith.constant 0 : i32
    %c0_i32_0 = arith.constant 0 : i32
    %c0_i32_1 = arith.constant 0 : i32
    return %c0_i32, %c0_i32_0 : i32, i32
  }
  func.func @transform_2(%arg0: i32) -> (i32, i32) {
    %c0_i32 = arith.constant 0 : i32
    %c0_i32_0 = arith.constant 0 : i32
    %c0_i32_1 = arith.constant 0 : i32
    return %c0_i32, %c0_i32_0 : i32, i32
  }
  func.func @transform_3(%arg0: i32) -> (i32, i32) {
    %c0_i32 = arith.constant 0 : i32
    %c0_i32_0 = arith.constant 0 : i32
    return %arg0, %c0_i32 : i32, i32
  }
}

module attributes {stable_mosaic.version = 14 : i64} {
  func.func @_matmul_kernel(%arg0: i32, %arg1: memref<2000x32xf32, #tpu.memory_space<vmem>>, %arg2: memref<32x96xf32, #tpu.memory_space<vmem>>, %arg3: memref<1x96xf32, #tpu.memory_space<vmem>>, %arg4: memref<2000x96xf32, #tpu.memory_space<vmem>>) attributes {dimension_semantics = [#tpu.dimension_semantics<arbitrary>], iteration_bounds = array<i64: 5>, scalar_prefetch = 0 : i64, scratch_operands = 0 : i64, tpu.core_type = #tpu.core_type<tc>, window_params = [{transform_indices = @transform_0, window_bounds = array<i64: 2000, 32>}, {pipeline_mode = #tpu.pipeline_mode<synchronous>, transform_indices = @transform_1, window_bounds = array<i64: 32, 96>}, {pipeline_mode = #tpu.pipeline_mode<synchronous>, transform_indices = @transform_2, window_bounds = array<i64: 1, 96>}, {transform_indices = @transform_3, window_bounds = array<i64: 2000, 96>}]} {
    %get3A = arith.constant 0 : index
    %get3A_0 = arith.constant 0 : index
    %get3A_1 = vector.load %arg1[%get3A, %get3A_0] : memref<2000x32xf32, #tpu.memory_space<vmem>>, vector<2000x32xf32>
    %get3A_2 = arith.constant 0 : index
    %get3A_3 = arith.constant 0 : index
    %get3A_4 = vector.load %arg2[%get3A_2, %get3A_3] : memref<32x96xf32, #tpu.memory_space<vmem>>, vector<32x96xf32>
    %dot_general3A = arith.constant dense<0.000000e+00> : vector<2000x96xf32>
    %dot_general3A_5 = tpu.matmul %get3A_1, %get3A_4, %dot_general3A {dimension_numbers = #tpu.dot_dimension_numbers<[1], [0], [0], [1], [0, 0, 1, 1], [], []>, transpose_lhs_hint = false} : vector<2000x32xf32>, vector<32x96xf32>, vector<2000x96xf32> -> vector<2000x96xf32>
    %get3A_6 = arith.constant 0 : index
    %get3A_7 = arith.constant 0 : index
    %get3A_8 = vector.load %arg3[%get3A_6, %get3A_7] : memref<1x96xf32, #tpu.memory_space<vmem>>, vector<1x96xf32>
    %add3A = vector.broadcast %get3A_8 : vector<1x96xf32> to vector<2000x96xf32>
    %add3A_9 = arith.addf %dot_general3A_5, %add3A : vector<2000x96xf32>
    %max3A = arith.constant 0.000000e+00 : f32
    %max3A_10 = vector.broadcast %max3A : f32 to vector<2000x96xf32>
    %max3A_11 = arith.maximumf %add3A_9, %max3A_10 : vector<2000x96xf32>
    %swap3A = arith.constant 0 : index
    %swap3A_12 = arith.constant 0 : index
    %swap3A_13 = vector.load %arg4[%swap3A, %swap3A_12] : memref<2000x96xf32, #tpu.memory_space<vmem>>, vector<2000x96xf32>
    tpu.vector_store %arg4[%swap3A, %swap3A_12], %max3A_11 {strides = array<i32>} : memref<2000x96xf32, #tpu.memory_space<vmem>>, vector<2000x96xf32>,
    return
  }
  func.func @transform_0(%arg0: i32) -> (i32, i32) {
    %c0_i32 = arith.constant 0 : i32
    %c0_i32_0 = arith.constant 0 : i32
    return %arg0, %c0_i32 : i32, i32
  }
  func.func @transform_1(%arg0: i32) -> (i32, i32) {
    %c0_i32 = arith.constant 0 : i32
    %c0_i32_0 = arith.constant 0 : i32
    %c0_i32_1 = arith.constant 0 : i32
    return %c0_i32, %c0_i32_0 : i32, i32
  }
  func.func @transform_2(%arg0: i32) -> (i32, i32) {
    %c0_i32 = arith.constant 0 : i32
    %c0_i32_0 = arith.constant 0 : i32
    %c0_i32_1 = arith.constant 0 : i32
    return %c0_i32, %c0_i32_0 : i32, i32
  }
  func.func @transform_3(%arg0: i32) -> (i32, i32) {
    %c0_i32 = arith.constant 0 : i32
    %c0_i32_0 = arith.constant 0 : i32
    return %arg0, %c0_i32 : i32, i32
  }
}

module attributes {stable_mosaic.version = 14 : i64} {
  func.func @_matmul_kernel(%arg0: i32, %arg1: memref<2000x256xf32, #tpu.memory_space<vmem>>, %arg2: memref<256x96xf32, #tpu.memory_space<vmem>>, %arg3: memref<1x96xf32, #tpu.memory_space<vmem>>, %arg4: memref<2000x96xf32, #tpu.memory_space<vmem>>) attributes {dimension_semantics = [#tpu.dimension_semantics<arbitrary>], iteration_bounds = array<i64: 80>, scalar_prefetch = 0 : i64, scratch_operands = 0 : i64, tpu.core_type = #tpu.core_type<tc>, window_params = [{transform_indices = @transform_0, window_bounds = array<i64: 2000, 256>}, {pipeline_mode = #tpu.pipeline_mode<synchronous>, transform_indices = @transform_1, window_bounds = array<i64: 256, 96>}, {pipeline_mode = #tpu.pipeline_mode<synchronous>, transform_indices = @transform_2, window_bounds = array<i64: 1, 96>}, {transform_indices = @transform_3, window_bounds = array<i64: 2000, 96>}]} {
    %get3A = arith.constant 0 : index
    %get3A_0 = arith.constant 0 : index
    %get3A_1 = vector.load %arg1[%get3A, %get3A_0] : memref<2000x256xf32, #tpu.memory_space<vmem>>, vector<2000x256xf32>
    %get3A_2 = arith.constant 0 : index
    %get3A_3 = arith.constant 0 : index
    %get3A_4 = vector.load %arg2[%get3A_2, %get3A_3] : memref<256x96xf32, #tpu.memory_space<vmem>>, vector<256x96xf32>
    %dot_general3A = arith.constant dense<0.000000e+00> : vector<2000x96xf32>
    %dot_general3A_5 = tpu.matmul %get3A_1, %get3A_4, %dot_general3A {dimension_numbers = #tpu.dot_dimension_numbers<[1], [0], [0], [1], [0, 0, 1, 1], [], []>, transpose_lhs_hint = false} : vector<2000x256xf32>, vector<256x96xf32>, vector<2000x96xf32> -> vector<2000x96xf32>
    %get3A_6 = arith.constant 0 : index
    %get3A_7 = arith.constant 0 : index
    %get3A_8 = vector.load %arg3[%get3A_6, %get3A_7] : memref<1x96xf32, #tpu.memory_space<vmem>>, vector<1x96xf32>
    %add3A = vector.broadcast %get3A_8 : vector<1x96xf32> to vector<2000x96xf32>
    %add3A_9 = arith.addf %dot_general3A_5, %add3A : vector<2000x96xf32>
    %max3A = arith.constant 0.000000e+00 : f32
    %max3A_10 = vector.broadcast %max3A : f32 to vector<2000x96xf32>
    %max3A_11 = arith.maximumf %add3A_9, %max3A_10 : vector<2000x96xf32>
    %swap3A = arith.constant 0 : index
    %swap3A_12 = arith.constant 0 : index
    %swap3A_13 = vector.load %arg4[%swap3A, %swap3A_12] : memref<2000x96xf32, #tpu.memory_space<vmem>>, vector<2000x96xf32>
    tpu.vector_store %arg4[%swap3A, %swap3A_12], %max3A_11 {strides = array<i32>} : memref<2000x96xf32, #tpu.memory_space<vmem>>, vector<2000x96xf32>,
    return
  }
  func.func @transform_0(%arg0: i32) -> (i32, i32) {
    %c0_i32 = arith.constant 0 : i32
    %c0_i32_0 = arith.constant 0 : i32
    return %arg0, %c0_i32 : i32, i32
  }
  func.func @transform_1(%arg0: i32) -> (i32, i32) {
    %c0_i32 = arith.constant 0 : i32
    %c0_i32_0 = arith.constant 0 : i32
    %c0_i32_1 = arith.constant 0 : i32
    return %c0_i32, %c0_i32_0 : i32, i32
  }
  func.func @transform_2(%arg0: i32) -> (i32, i32) {
    %c0_i32 = arith.constant 0 : i32
    %c0_i32_0 = arith.constant 0 : i32
    %c0_i32_1 = arith.constant 0 : i32
    return %c0_i32, %c0_i32_0 : i32, i32
  }
  func.func @transform_3(%arg0: i32) -> (i32, i32) {
    %c0_i32 = arith.constant 0 : i32
    %c0_i32_0 = arith.constant 0 : i32
    return %arg0, %c0_i32 : i32, i32
  }
}

module attributes {stable_mosaic.version = 14 : i64} {
  func.func @_matmul_kernel(%arg0: i32, %arg1: memref<2000x192xf32, #tpu.memory_space<vmem>>, %arg2: memref<192x96xf32, #tpu.memory_space<vmem>>, %arg3: memref<1x96xf32, #tpu.memory_space<vmem>>, %arg4: memref<2000x96xf32, #tpu.memory_space<vmem>>) attributes {dimension_semantics = [#tpu.dimension_semantics<arbitrary>], iteration_bounds = array<i64: 80>, scalar_prefetch = 0 : i64, scratch_operands = 0 : i64, tpu.core_type = #tpu.core_type<tc>, window_params = [{transform_indices = @transform_0, window_bounds = array<i64: 2000, 192>}, {pipeline_mode = #tpu.pipeline_mode<synchronous>, transform_indices = @transform_1, window_bounds = array<i64: 192, 96>}, {pipeline_mode = #tpu.pipeline_mode<synchronous>, transform_indices = @transform_2, window_bounds = array<i64: 1, 96>}, {transform_indices = @transform_3, window_bounds = array<i64: 2000, 96>}]} {
    %get3A = arith.constant 0 : index
    %get3A_0 = arith.constant 0 : index
    %get3A_1 = vector.load %arg1[%get3A, %get3A_0] : memref<2000x192xf32, #tpu.memory_space<vmem>>, vector<2000x192xf32>
    %get3A_2 = arith.constant 0 : index
    %get3A_3 = arith.constant 0 : index
    %get3A_4 = vector.load %arg2[%get3A_2, %get3A_3] : memref<192x96xf32, #tpu.memory_space<vmem>>, vector<192x96xf32>
    %dot_general3A = arith.constant dense<0.000000e+00> : vector<2000x96xf32>
    %dot_general3A_5 = tpu.matmul %get3A_1, %get3A_4, %dot_general3A {dimension_numbers = #tpu.dot_dimension_numbers<[1], [0], [0], [1], [0, 0, 1, 1], [], []>, transpose_lhs_hint = false} : vector<2000x192xf32>, vector<192x96xf32>, vector<2000x96xf32> -> vector<2000x96xf32>
    %get3A_6 = arith.constant 0 : index
    %get3A_7 = arith.constant 0 : index
    %get3A_8 = vector.load %arg3[%get3A_6, %get3A_7] : memref<1x96xf32, #tpu.memory_space<vmem>>, vector<1x96xf32>
    %add3A = vector.broadcast %get3A_8 : vector<1x96xf32> to vector<2000x96xf32>
    %add3A_9 = arith.addf %dot_general3A_5, %add3A : vector<2000x96xf32>
    %swap3A = arith.constant 0 : index
    %swap3A_10 = arith.constant 0 : index
    %swap3A_11 = vector.load %arg4[%swap3A, %swap3A_10] : memref<2000x96xf32, #tpu.memory_space<vmem>>, vector<2000x96xf32>
    tpu.vector_store %arg4[%swap3A, %swap3A_10], %add3A_9 {strides = array<i32>} : memref<2000x96xf32, #tpu.memory_space<vmem>>, vector<2000x96xf32>,
    return
  }
  func.func @transform_0(%arg0: i32) -> (i32, i32) {
    %c0_i32 = arith.constant 0 : i32
    %c0_i32_0 = arith.constant 0 : i32
    return %arg0, %c0_i32 : i32, i32
  }
  func.func @transform_1(%arg0: i32) -> (i32, i32) {
    %c0_i32 = arith.constant 0 : i32
    %c0_i32_0 = arith.constant 0 : i32
    %c0_i32_1 = arith.constant 0 : i32
    return %c0_i32, %c0_i32_0 : i32, i32
  }
  func.func @transform_2(%arg0: i32) -> (i32, i32) {
    %c0_i32 = arith.constant 0 : i32
    %c0_i32_0 = arith.constant 0 : i32
    %c0_i32_1 = arith.constant 0 : i32
    return %c0_i32, %c0_i32_0 : i32, i32
  }
  func.func @transform_3(%arg0: i32) -> (i32, i32) {
    %c0_i32 = arith.constant 0 : i32
    %c0_i32_0 = arith.constant 0 : i32
    return %arg0, %c0_i32 : i32, i32
  }
}

module attributes {stable_mosaic.version = 14 : i64} {
  func.func @_smax_kernel(%arg0: i32, %arg1: i32, %arg2: memref<400x3xf32, #tpu.memory_space<vmem>>, %arg3: memref<3x1280xf32, #tpu.memory_space<vmem>>, %arg4: memref<1x1280xi32, #tpu.memory_space<vmem>>, %arg5: memref<400x3xf32, #tpu.memory_space<vmem>>) attributes {dimension_semantics = [#tpu.dimension_semantics<arbitrary>, #tpu.dimension_semantics<arbitrary>], iteration_bounds = array<i64: 25, 125>, scalar_prefetch = 0 : i64, scratch_operands = 0 : i64, tpu.core_type = #tpu.core_type<tc>, window_params = [{transform_indices = @transform_0, window_bounds = array<i64: 400, 3>}, {transform_indices = @transform_1, window_bounds = array<i64: 3, 1280>}, {transform_indices = @transform_2, window_bounds = array<i64: 1, 1280>}, {transform_indices = @transform_3, window_bounds = array<i64: 400, 3>}]} {
    %mul3A = arith.constant 400 : i32
    %mul3A_0 = arith.muli %arg0, %mul3A : i32
    %iota3A = tpu.iota {dimensions = array<i32: 0>} : vector<400x1280xi32>
    %add3A = vector.broadcast %mul3A_0 : i32 to vector<400x1280xi32>
    %add3A_1 = arith.addi %add3A, %iota3A : vector<400x1280xi32>
    %get3A = arith.constant 0 : index
    %get3A_2 = arith.constant 0 : index
    %get3A_3 = vector.load %arg4[%get3A, %get3A_2] : memref<1x1280xi32, #tpu.memory_space<vmem>>, vector<1x1280xi32>
    %eq3A = vector.broadcast %get3A_3 : vector<1x1280xi32> to vector<400x1280xi32>
    %eq3A_4 = arith.cmpi eq, %eq3A, %add3A_1 : vector<400x1280xi32>
    %get3A_5 = arith.constant 0 : index
    %get3A_6 = arith.constant 0 : index
    %get3A_7 = vector.load %arg2[%get3A_5, %get3A_6] : memref<400x3xf32, #tpu.memory_space<vmem>>, vector<400x3xf32>
    %get3A_8 = arith.constant 0 : index
    %get3A_9 = arith.constant 0 : index
    %get3A_10 = vector.load %arg3[%get3A_8, %get3A_9] : memref<3x1280xf32, #tpu.memory_space<vmem>>, vector<3x1280xf32>
    %slice3A = vector.extract_strided_slice %get3A_7 {offsets = [0, 0], sizes = [400, 1], strides = [1, 1]} : vector<400x3xf32> to vector<400x1xf32>
    %squeeze3A = vector.shape_cast %slice3A : vector<400x1xf32> to vector<400xf32>
    %broadcast_in_dim3A = vector.shape_cast %squeeze3A : vector<400xf32> to vector<400x1xf32>
    %slice3A_11 = vector.extract_strided_slice %get3A_10 {offsets = [0, 0], sizes = [1, 1280], strides = [1, 1]} : vector<3x1280xf32> to vector<1x1280xf32>
    %squeeze3A_12 = vector.shape_cast %slice3A_11 : vector<1x1280xf32> to vector<1280xf32>
    %broadcast_in_dim3A_13 = vector.shape_cast %squeeze3A_12 : vector<1280xf32> to vector<1x1280xf32>
    %add3A_14 = vector.broadcast %broadcast_in_dim3A : vector<400x1xf32> to vector<400x1280xf32>
    %add3A_15 = vector.broadcast %broadcast_in_dim3A_13 : vector<1x1280xf32> to vector<400x1280xf32>
    %add3A_16 = arith.addf %add3A_14, %add3A_15 : vector<400x1280xf32>
    %gt3A = arith.constant 0.000000e+00 : f32
    %gt3A_17 = vector.broadcast %gt3A : f32 to vector<400x1280xf32>
    %gt3A_18 = arith.cmpf ogt, %add3A_16, %gt3A_17 : vector<400x1280xf32>
    %mul3A_19 = arith.constant 2.000000e-01 : f32
    %mul3A_20 = vector.broadcast %mul3A_19 : f32 to vector<400x1280xf32>
    %mul3A_21 = arith.mulf %mul3A_20, %add3A_16 : vector<400x1280xf32>
    %select_n3A = arith.select %gt3A_18, %add3A_16, %mul3A_21 : vector<400x1280xi1>, vector<400x1280xf32>
    %slice3A_22 = vector.extract_strided_slice %get3A_7 {offsets = [0, 1], sizes = [400, 1], strides = [1, 1]} : vector<400x3xf32> to vector<400x1xf32>
    %squeeze3A_23 = vector.shape_cast %slice3A_22 : vector<400x1xf32> to vector<400xf32>
    %broadcast_in_dim3A_24 = vector.shape_cast %squeeze3A_23 : vector<400xf32> to vector<400x1xf32>
    %slice3A_25 = vector.extract_strided_slice %get3A_10 {offsets = [1, 0], sizes = [1, 1280], strides = [1, 1]} : vector<3x1280xf32> to vector<1x1280xf32>
    %squeeze3A_26 = vector.shape_cast %slice3A_25 : vector<1x1280xf32> to vector<1280xf32>
    %broadcast_in_dim3A_27 = vector.shape_cast %squeeze3A_26 : vector<1280xf32> to vector<1x1280xf32>
    %add3A_28 = vector.broadcast %broadcast_in_dim3A_24 : vector<400x1xf32> to vector<400x1280xf32>
    %add3A_29 = vector.broadcast %broadcast_in_dim3A_27 : vector<1x1280xf32> to vector<400x1280xf32>
    %add3A_30 = arith.addf %add3A_28, %add3A_29 : vector<400x1280xf32>
    %gt3A_31 = arith.constant 0.000000e+00 : f32
    %gt3A_32 = vector.broadcast %gt3A_31 : f32 to vector<400x1280xf32>
    %gt3A_33 = arith.cmpf ogt, %add3A_30, %gt3A_32 : vector<400x1280xf32>
    %mul3A_34 = arith.constant 2.000000e-01 : f32
    %mul3A_35 = vector.broadcast %mul3A_34 : f32 to vector<400x1280xf32>
    %mul3A_36 = arith.mulf %mul3A_35, %add3A_30 : vector<400x1280xf32>
    %select_n3A_37 = arith.select %gt3A_33, %add3A_30, %mul3A_36 : vector<400x1280xi1>, vector<400x1280xf32>
    %slice3A_38 = vector.extract_strided_slice %get3A_7 {offsets = [0, 2], sizes = [400, 1], strides = [1, 1]} : vector<400x3xf32> to vector<400x1xf32>
    %squeeze3A_39 = vector.shape_cast %slice3A_38 : vector<400x1xf32> to vector<400xf32>
    %broadcast_in_dim3A_40 = vector.shape_cast %squeeze3A_39 : vector<400xf32> to vector<400x1xf32>
    %slice3A_41 = vector.extract_strided_slice %get3A_10 {offsets = [2, 0], sizes = [1, 1280], strides = [1, 1]} : vector<3x1280xf32> to vector<1x1280xf32>
    %squeeze3A_42 = vector.shape_cast %slice3A_41 : vector<1x1280xf32> to vector<1280xf32>
    %broadcast_in_dim3A_43 = vector.shape_cast %squeeze3A_42 : vector<1280xf32> to vector<1x1280xf32>
    %add3A_44 = vector.broadcast %broadcast_in_dim3A_40 : vector<400x1xf32> to vector<400x1280xf32>
    %add3A_45 = vector.broadcast %broadcast_in_dim3A_43 : vector<1x1280xf32> to vector<400x1280xf32>
    %add3A_46 = arith.addf %add3A_44, %add3A_45 : vector<400x1280xf32>
    %gt3A_47 = arith.constant 0.000000e+00 : f32
    %gt3A_48 = vector.broadcast %gt3A_47 : f32 to vector<400x1280xf32>
    %gt3A_49 = arith.cmpf ogt, %add3A_46, %gt3A_48 : vector<400x1280xf32>
    %mul3A_50 = arith.constant 2.000000e-01 : f32
    %mul3A_51 = vector.broadcast %mul3A_50 : f32 to vector<400x1280xf32>
    %mul3A_52 = arith.mulf %mul3A_51, %add3A_46 : vector<400x1280xf32>
    %select_n3A_53 = arith.select %gt3A_49, %add3A_46, %mul3A_52 : vector<400x1280xi1>, vector<400x1280xf32>
    %jit3A = arith.constant -1.000000e+30 : f32
    %broadcast_in_dim3A_54 = vector.broadcast %jit3A : f32 to vector<400x1280xf32>
    %select_n3A_55 = arith.select %eq3A_4, %select_n3A, %broadcast_in_dim3A_54 : vector<400x1280xi1>, vector<400x1280xf32>
    %reduce_max3A = arith.constant dense<0xFF800000> : vector<400xf32>
    %reduce_max3A_56 = vector.multi_reduction <maximumf>, %select_n3A_55, %reduce_max3A [1] : vector<400x1280xf32> to vector<400xf32>
    %broadcast_in_dim3A_57 = vector.shape_cast %reduce_max3A_56 : vector<400xf32> to vector<400x1xf32>
    %jit3A_58 = arith.constant -1.000000e+30 : f32
    %broadcast_in_dim3A_59 = vector.broadcast %jit3A_58 : f32 to vector<400x1280xf32>
    %select_n3A_60 = arith.select %eq3A_4, %select_n3A_37, %broadcast_in_dim3A_59 : vector<400x1280xi1>, vector<400x1280xf32>
    %reduce_max3A_61 = arith.constant dense<0xFF800000> : vector<400xf32>
    %reduce_max3A_62 = vector.multi_reduction <maximumf>, %select_n3A_60, %reduce_max3A_61 [1] : vector<400x1280xf32> to vector<400xf32>
    %broadcast_in_dim3A_63 = vector.shape_cast %reduce_max3A_62 : vector<400xf32> to vector<400x1xf32>
    %jit3A_64 = arith.constant -1.000000e+30 : f32
    %broadcast_in_dim3A_65 = vector.broadcast %jit3A_64 : f32 to vector<400x1280xf32>
    %select_n3A_66 = arith.select %eq3A_4, %select_n3A_53, %broadcast_in_dim3A_65 : vector<400x1280xi1>, vector<400x1280xf32>
    %reduce_max3A_67 = arith.constant dense<0xFF800000> : vector<400xf32>
    %reduce_max3A_68 = vector.multi_reduction <maximumf>, %select_n3A_66, %reduce_max3A_67 [1] : vector<400x1280xf32> to vector<400xf32>
    %broadcast_in_dim3A_69 = vector.shape_cast %reduce_max3A_68 : vector<400xf32> to vector<400x1xf32>
    %concatenate3A = tpu.concatenate %broadcast_in_dim3A_57, %broadcast_in_dim3A_63, %broadcast_in_dim3A_69 in 1 : vector<400x1xf32>, vector<400x1xf32>, vector<400x1xf32> -> vector<400x3xf32>
    %eq3A_70 = arith.constant 0 : i32
    %eq3A_71 = arith.cmpi eq, %arg1, %eq3A_70 : i32
    %convert_element_type3A = arith.extui %eq3A_71 : i1 to i32
    %cond3A = arith.constant 0 : i32
    %cond3A_72 = arith.cmpi ne, %convert_element_type3A, %cond3A : i32
    scf.if %cond3A_72 {
      %swap3A = arith.constant 0 : index
      %swap3A_77 = arith.constant 0 : index
      %swap3A_78 = vector.load %arg5[%swap3A, %swap3A_77] : memref<400x3xf32, #tpu.memory_space<vmem>>, vector<400x3xf32>
      tpu.vector_store %arg5[%swap3A, %swap3A_77], %concatenate3A {strides = array<i32>} : memref<400x3xf32, #tpu.memory_space<vmem>>, vector<400x3xf32>,
    } else {
    }
    %ne3A = arith.constant 0 : i32
    %ne3A_73 = arith.cmpi ne, %arg1, %ne3A : i32
    %convert_element_type3A_74 = arith.extui %ne3A_73 : i1 to i32
    %cond3A_75 = arith.constant 0 : i32
    %cond3A_76 = arith.cmpi ne, %convert_element_type3A_74, %cond3A_75 : i32
    scf.if %cond3A_76 {
      %get3A_77 = arith.constant 0 : index
      %get3A_78 = arith.constant 0 : index
      %get3A_79 = vector.load %arg5[%get3A_77, %get3A_78] : memref<400x3xf32, #tpu.memory_space<vmem>>, vector<400x3xf32>
      %max3A = arith.maximumf %get3A_79, %concatenate3A : vector<400x3xf32>
      %swap3A = arith.constant 0 : index
      %swap3A_80 = arith.constant 0 : index
      %swap3A_81 = vector.load %arg5[%swap3A, %swap3A_80] : memref<400x3xf32, #tpu.memory_space<vmem>>, vector<400x3xf32>
      tpu.vector_store %arg5[%swap3A, %swap3A_80], %max3A {strides = array<i32>} : memref<400x3xf32, #tpu.memory_space<vmem>>, vector<400x3xf32>,
    } else {
    }
    return
  }
  func.func @transform_0(%arg0: i32, %arg1: i32) -> (i32, i32) {
    %c0_i32 = arith.constant 0 : i32
    %c0_i32_0 = arith.constant 0 : i32
    return %arg0, %c0_i32 : i32, i32
  }
  func.func @transform_1(%arg0: i32, %arg1: i32) -> (i32, i32) {
    %c0_i32 = arith.constant 0 : i32
    %c0_i32_0 = arith.constant 0 : i32
    return %c0_i32, %arg1 : i32, i32
  }
  func.func @transform_2(%arg0: i32, %arg1: i32) -> (i32, i32) {
    %c0_i32 = arith.constant 0 : i32
    %c0_i32_0 = arith.constant 0 : i32
    return %c0_i32, %arg1 : i32, i32
  }
  func.func @transform_3(%arg0: i32, %arg1: i32) -> (i32, i32) {
    %c0_i32 = arith.constant 0 : i32
    %c0_i32_0 = arith.constant 0 : i32
    return %arg0, %c0_i32 : i32, i32
  }
}

module attributes {stable_mosaic.version = 14 : i64} {
  func.func @_ssum_kernel(%arg0: i32, %arg1: i32, %arg2: memref<400x3xf32, #tpu.memory_space<vmem>>, %arg3: memref<400x3xf32, #tpu.memory_space<vmem>>, %arg4: memref<3x1280xf32, #tpu.memory_space<vmem>>, %arg5: memref<1x1280xi32, #tpu.memory_space<vmem>>, %arg6: memref<1280x96xf32, #tpu.memory_space<vmem>>, %arg7: memref<400x3xf32, #tpu.memory_space<vmem>>, %arg8: memref<400x96xf32, #tpu.memory_space<vmem>>) attributes {dimension_semantics = [#tpu.dimension_semantics<arbitrary>, #tpu.dimension_semantics<arbitrary>], iteration_bounds = array<i64: 25, 125>, scalar_prefetch = 0 : i64, scratch_operands = 0 : i64, tpu.core_type = #tpu.core_type<tc>, window_params = [{transform_indices = @transform_0, window_bounds = array<i64: 400, 3>}, {transform_indices = @transform_1, window_bounds = array<i64: 400, 3>}, {transform_indices = @transform_2, window_bounds = array<i64: 3, 1280>}, {transform_indices = @transform_3, window_bounds = array<i64: 1, 1280>}, {transform_indices = @transform_4, window_bounds = array<i64: 1280, 96>}, {transform_indices = @transform_5, window_bounds = array<i64: 400, 3>}, {transform_indices = @transform_6, window_bounds = array<i64: 400, 96>}]} {
    %mul3A = arith.constant 400 : i32
    %mul3A_0 = arith.muli %arg0, %mul3A : i32
    %iota3A = tpu.iota {dimensions = array<i32: 0>} : vector<400x1280xi32>
    %add3A = vector.broadcast %mul3A_0 : i32 to vector<400x1280xi32>
    %add3A_1 = arith.addi %add3A, %iota3A : vector<400x1280xi32>
    %get3A = arith.constant 0 : index
    %get3A_2 = arith.constant 0 : index
    %get3A_3 = vector.load %arg5[%get3A, %get3A_2] : memref<1x1280xi32, #tpu.memory_space<vmem>>, vector<1x1280xi32>
    %eq3A = vector.broadcast %get3A_3 : vector<1x1280xi32> to vector<400x1280xi32>
    %eq3A_4 = arith.cmpi eq, %eq3A, %add3A_1 : vector<400x1280xi32>
    %get3A_5 = arith.constant 0 : index
    %get3A_6 = arith.constant 0 : index
    %get3A_7 = vector.load %arg2[%get3A_5, %get3A_6] : memref<400x3xf32, #tpu.memory_space<vmem>>, vector<400x3xf32>
    %get3A_8 = arith.constant 0 : index
    %get3A_9 = arith.constant 0 : index
    %get3A_10 = vector.load %arg4[%get3A_8, %get3A_9] : memref<3x1280xf32, #tpu.memory_space<vmem>>, vector<3x1280xf32>
    %get3A_11 = arith.constant 0 : index
    %get3A_12 = arith.constant 0 : index
    %get3A_13 = vector.load %arg3[%get3A_11, %get3A_12] : memref<400x3xf32, #tpu.memory_space<vmem>>, vector<400x3xf32>
    %get3A_14 = arith.constant 0 : index
    %get3A_15 = arith.constant 0 : index
    %get3A_16 = vector.load %arg6[%get3A_14, %get3A_15] : memref<1280x96xf32, #tpu.memory_space<vmem>>, vector<1280x96xf32>
    %slice3A = vector.extract_strided_slice %get3A_7 {offsets = [0, 0], sizes = [400, 1], strides = [1, 1]} : vector<400x3xf32> to vector<400x1xf32>
    %squeeze3A = vector.shape_cast %slice3A : vector<400x1xf32> to vector<400xf32>
    %broadcast_in_dim3A = vector.shape_cast %squeeze3A : vector<400xf32> to vector<400x1xf32>
    %slice3A_17 = vector.extract_strided_slice %get3A_10 {offsets = [0, 0], sizes = [1, 1280], strides = [1, 1]} : vector<3x1280xf32> to vector<1x1280xf32>
    %squeeze3A_18 = vector.shape_cast %slice3A_17 : vector<1x1280xf32> to vector<1280xf32>
    %broadcast_in_dim3A_19 = vector.shape_cast %squeeze3A_18 : vector<1280xf32> to vector<1x1280xf32>
    %add3A_20 = vector.broadcast %broadcast_in_dim3A : vector<400x1xf32> to vector<400x1280xf32>
    %add3A_21 = vector.broadcast %broadcast_in_dim3A_19 : vector<1x1280xf32> to vector<400x1280xf32>
    %add3A_22 = arith.addf %add3A_20, %add3A_21 : vector<400x1280xf32>
    %gt3A = arith.constant 0.000000e+00 : f32
    %gt3A_23 = vector.broadcast %gt3A : f32 to vector<400x1280xf32>
    %gt3A_24 = arith.cmpf ogt, %add3A_22, %gt3A_23 : vector<400x1280xf32>
    %mul3A_25 = arith.constant 2.000000e-01 : f32
    %mul3A_26 = vector.broadcast %mul3A_25 : f32 to vector<400x1280xf32>
    %mul3A_27 = arith.mulf %mul3A_26, %add3A_22 : vector<400x1280xf32>
    %select_n3A = arith.select %gt3A_24, %add3A_22, %mul3A_27 : vector<400x1280xi1>, vector<400x1280xf32>
    %slice3A_28 = vector.extract_strided_slice %get3A_7 {offsets = [0, 1], sizes = [400, 1], strides = [1, 1]} : vector<400x3xf32> to vector<400x1xf32>
    %squeeze3A_29 = vector.shape_cast %slice3A_28 : vector<400x1xf32> to vector<400xf32>
    %broadcast_in_dim3A_30 = vector.shape_cast %squeeze3A_29 : vector<400xf32> to vector<400x1xf32>
    %slice3A_31 = vector.extract_strided_slice %get3A_10 {offsets = [1, 0], sizes = [1, 1280], strides = [1, 1]} : vector<3x1280xf32> to vector<1x1280xf32>
    %squeeze3A_32 = vector.shape_cast %slice3A_31 : vector<1x1280xf32> to vector<1280xf32>
    %broadcast_in_dim3A_33 = vector.shape_cast %squeeze3A_32 : vector<1280xf32> to vector<1x1280xf32>
    %add3A_34 = vector.broadcast %broadcast_in_dim3A_30 : vector<400x1xf32> to vector<400x1280xf32>
    %add3A_35 = vector.broadcast %broadcast_in_dim3A_33 : vector<1x1280xf32> to vector<400x1280xf32>
    %add3A_36 = arith.addf %add3A_34, %add3A_35 : vector<400x1280xf32>
    %gt3A_37 = arith.constant 0.000000e+00 : f32
    %gt3A_38 = vector.broadcast %gt3A_37 : f32 to vector<400x1280xf32>
    %gt3A_39 = arith.cmpf ogt, %add3A_36, %gt3A_38 : vector<400x1280xf32>
    %mul3A_40 = arith.constant 2.000000e-01 : f32
    %mul3A_41 = vector.broadcast %mul3A_40 : f32 to vector<400x1280xf32>
    %mul3A_42 = arith.mulf %mul3A_41, %add3A_36 : vector<400x1280xf32>
    %select_n3A_43 = arith.select %gt3A_39, %add3A_36, %mul3A_42 : vector<400x1280xi1>, vector<400x1280xf32>
    %slice3A_44 = vector.extract_strided_slice %get3A_7 {offsets = [0, 2], sizes = [400, 1], strides = [1, 1]} : vector<400x3xf32> to vector<400x1xf32>
    %squeeze3A_45 = vector.shape_cast %slice3A_44 : vector<400x1xf32> to vector<400xf32>
    %broadcast_in_dim3A_46 = vector.shape_cast %squeeze3A_45 : vector<400xf32> to vector<400x1xf32>
    %slice3A_47 = vector.extract_strided_slice %get3A_10 {offsets = [2, 0], sizes = [1, 1280], strides = [1, 1]} : vector<3x1280xf32> to vector<1x1280xf32>
    %squeeze3A_48 = vector.shape_cast %slice3A_47 : vector<1x1280xf32> to vector<1280xf32>
    %broadcast_in_dim3A_49 = vector.shape_cast %squeeze3A_48 : vector<1280xf32> to vector<1x1280xf32>
    %add3A_50 = vector.broadcast %broadcast_in_dim3A_46 : vector<400x1xf32> to vector<400x1280xf32>
    %add3A_51 = vector.broadcast %broadcast_in_dim3A_49 : vector<1x1280xf32> to vector<400x1280xf32>
    %add3A_52 = arith.addf %add3A_50, %add3A_51 : vector<400x1280xf32>
    %gt3A_53 = arith.constant 0.000000e+00 : f32
    %gt3A_54 = vector.broadcast %gt3A_53 : f32 to vector<400x1280xf32>
    %gt3A_55 = arith.cmpf ogt, %add3A_52, %gt3A_54 : vector<400x1280xf32>
    %mul3A_56 = arith.constant 2.000000e-01 : f32
    %mul3A_57 = vector.broadcast %mul3A_56 : f32 to vector<400x1280xf32>
    %mul3A_58 = arith.mulf %mul3A_57, %add3A_52 : vector<400x1280xf32>
    %select_n3A_59 = arith.select %gt3A_55, %add3A_52, %mul3A_58 : vector<400x1280xi1>, vector<400x1280xf32>
    %slice3A_60 = vector.extract_strided_slice %get3A_13 {offsets = [0, 0], sizes = [400, 1], strides = [1, 1]} : vector<400x3xf32> to vector<400x1xf32>
    %squeeze3A_61 = vector.shape_cast %slice3A_60 : vector<400x1xf32> to vector<400xf32>
    %broadcast_in_dim3A_62 = vector.shape_cast %squeeze3A_61 : vector<400xf32> to vector<400x1xf32>
    %sub3A = vector.broadcast %broadcast_in_dim3A_62 : vector<400x1xf32> to vector<400x1280xf32>
    %sub3A_63 = arith.subf %select_n3A, %sub3A : vector<400x1280xf32>
    %exp3A = math.exp %sub3A_63 : vector<400x1280xf32>
    %jit3A = arith.constant 0.000000e+00 : f32
    %broadcast_in_dim3A_64 = vector.broadcast %jit3A : f32 to vector<400x1280xf32>
    %select_n3A_65 = arith.select %eq3A_4, %exp3A, %broadcast_in_dim3A_64 : vector<400x1280xi1>, vector<400x1280xf32>
    %reduce_sum3A = arith.constant dense<0.000000e+00> : vector<400xf32>
    %reduce_sum3A_66 = vector.multi_reduction <add>, %select_n3A_65, %reduce_sum3A [1] : vector<400x1280xf32> to vector<400xf32>
    %broadcast_in_dim3A_67 = vector.shape_cast %reduce_sum3A_66 : vector<400xf32> to vector<400x1xf32>
    %slice3A_68 = vector.extract_strided_slice %get3A_16 {offsets = [0, 0], sizes = [1280, 32], strides = [1, 1]} : vector<1280x96xf32> to vector<1280x32xf32>
    %dot_general3A = arith.constant dense<0.000000e+00> : vector<400x32xf32>
    %dot_general3A_69 = tpu.matmul %select_n3A_65, %slice3A_68, %dot_general3A {dimension_numbers = #tpu.dot_dimension_numbers<[1], [0], [0], [1], [0, 0, 1, 1], [], []>, transpose_lhs_hint = false} : vector<400x1280xf32>, vector<1280x32xf32>, vector<400x32xf32> -> vector<400x32xf32>
    %slice3A_70 = vector.extract_strided_slice %get3A_13 {offsets = [0, 1], sizes = [400, 1], strides = [1, 1]} : vector<400x3xf32> to vector<400x1xf32>
    %squeeze3A_71 = vector.shape_cast %slice3A_70 : vector<400x1xf32> to vector<400xf32>
    %broadcast_in_dim3A_72 = vector.shape_cast %squeeze3A_71 : vector<400xf32> to vector<400x1xf32>
    %sub3A_73 = vector.broadcast %broadcast_in_dim3A_72 : vector<400x1xf32> to vector<400x1280xf32>
    %sub3A_74 = arith.subf %select_n3A_43, %sub3A_73 : vector<400x1280xf32>
    %exp3A_75 = math.exp %sub3A_74 : vector<400x1280xf32>
    %jit3A_76 = arith.constant 0.000000e+00 : f32
    %broadcast_in_dim3A_77 = vector.broadcast %jit3A_76 : f32 to vector<400x1280xf32>
    %select_n3A_78 = arith.select %eq3A_4, %exp3A_75, %broadcast_in_dim3A_77 : vector<400x1280xi1>, vector<400x1280xf32>
    %reduce_sum3A_79 = arith.constant dense<0.000000e+00> : vector<400xf32>
    %reduce_sum3A_80 = vector.multi_reduction <add>, %select_n3A_78, %reduce_sum3A_79 [1] : vector<400x1280xf32> to vector<400xf32>
    %broadcast_in_dim3A_81 = vector.shape_cast %reduce_sum3A_80 : vector<400xf32> to vector<400x1xf32>
    %slice3A_82 = vector.extract_strided_slice %get3A_16 {offsets = [0, 32], sizes = [1280, 32], strides = [1, 1]} : vector<1280x96xf32> to vector<1280x32xf32>
    %dot_general3A_83 = arith.constant dense<0.000000e+00> : vector<400x32xf32>
    %dot_general3A_84 = tpu.matmul %select_n3A_78, %slice3A_82, %dot_general3A_83 {dimension_numbers = #tpu.dot_dimension_numbers<[1], [0], [0], [1], [0, 0, 1, 1], [], []>, transpose_lhs_hint = false} : vector<400x1280xf32>, vector<1280x32xf32>, vector<400x32xf32> -> vector<400x32xf32>
    %slice3A_85 = vector.extract_strided_slice %get3A_13 {offsets = [0, 2], sizes = [400, 1], strides = [1, 1]} : vector<400x3xf32> to vector<400x1xf32>
    %squeeze3A_86 = vector.shape_cast %slice3A_85 : vector<400x1xf32> to vector<400xf32>
    %broadcast_in_dim3A_87 = vector.shape_cast %squeeze3A_86 : vector<400xf32> to vector<400x1xf32>
    %sub3A_88 = vector.broadcast %broadcast_in_dim3A_87 : vector<400x1xf32> to vector<400x1280xf32>
    %sub3A_89 = arith.subf %select_n3A_59, %sub3A_88 : vector<400x1280xf32>
    %exp3A_90 = math.exp %sub3A_89 : vector<400x1280xf32>
    %jit3A_91 = arith.constant 0.000000e+00 : f32
    %broadcast_in_dim3A_92 = vector.broadcast %jit3A_91 : f32 to vector<400x1280xf32>
    %select_n3A_93 = arith.select %eq3A_4, %exp3A_90, %broadcast_in_dim3A_92 : vector<400x1280xi1>, vector<400x1280xf32>
    %reduce_sum3A_94 = arith.constant dense<0.000000e+00> : vector<400xf32>
    %reduce_sum3A_95 = vector.multi_reduction <add>, %select_n3A_93, %reduce_sum3A_94 [1] : vector<400x1280xf32> to vector<400xf32>
    %broadcast_in_dim3A_96 = vector.shape_cast %reduce_sum3A_95 : vector<400xf32> to vector<400x1xf32>
    %slice3A_97 = vector.extract_strided_slice %get3A_16 {offsets = [0, 64], sizes = [1280, 32], strides = [1, 1]} : vector<1280x96xf32> to vector<1280x32xf32>
    %dot_general3A_98 = arith.constant dense<0.000000e+00> : vector<400x32xf32>
    %dot_general3A_99 = tpu.matmul %select_n3A_93, %slice3A_97, %dot_general3A_98 {dimension_numbers = #tpu.dot_dimension_numbers<[1], [0], [0], [1], [0, 0, 1, 1], [], []>, transpose_lhs_hint = false} : vector<400x1280xf32>, vector<1280x32xf32>, vector<400x32xf32> -> vector<400x32xf32>
    %concatenate3A = tpu.concatenate %broadcast_in_dim3A_67, %broadcast_in_dim3A_81, %broadcast_in_dim3A_96 in 1 : vector<400x1xf32>, vector<400x1xf32>, vector<400x1xf32> -> vector<400x3xf32>
    %concatenate3A_100 = tpu.concatenate %dot_general3A_69, %dot_general3A_84, %dot_general3A_99 in 1 : vector<400x32xf32>, vector<400x32xf32>, vector<400x32xf32> -> vector<400x96xf32>
    %eq3A_101 = arith.constant 0 : i32
    %eq3A_102 = arith.cmpi eq, %arg1, %eq3A_101 : i32
    %convert_element_type3A = arith.extui %eq3A_102 : i1 to i32
    %cond3A = arith.constant 0 : i32
    %cond3A_103 = arith.cmpi ne, %convert_element_type3A, %cond3A : i32
    scf.if %cond3A_103 {
      %swap3A = arith.constant 0 : index
      %swap3A_108 = arith.constant 0 : index
      %swap3A_109 = vector.load %arg7[%swap3A, %swap3A_108] : memref<400x3xf32, #tpu.memory_space<vmem>>, vector<400x3xf32>
      tpu.vector_store %arg7[%swap3A, %swap3A_108], %concatenate3A {strides = array<i32>} : memref<400x3xf32, #tpu.memory_space<vmem>>, vector<400x3xf32>,
      %swap3A_110 = arith.constant 0 : index
      %swap3A_111 = arith.constant 0 : index
      %swap3A_112 = vector.load %arg8[%swap3A_110, %swap3A_111] : memref<400x96xf32, #tpu.memory_space<vmem>>, vector<400x96xf32>
      tpu.vector_store %arg8[%swap3A_110, %swap3A_111], %concatenate3A_100 {strides = array<i32>} : memref<400x96xf32, #tpu.memory_space<vmem>>, vector<400x96xf32>,
    } else {
    }
    %ne3A = arith.constant 0 : i32
    %ne3A_104 = arith.cmpi ne, %arg1, %ne3A : i32
    %convert_element_type3A_105 = arith.extui %ne3A_104 : i1 to i32
    %cond3A_106 = arith.constant 0 : i32
    %cond3A_107 = arith.cmpi ne, %convert_element_type3A_105, %cond3A_106 : i32
    scf.if %cond3A_107 {
      %get3A_108 = arith.constant 0 : index
      %get3A_109 = arith.constant 0 : index
      %get3A_110 = vector.load %arg7[%get3A_108, %get3A_109] : memref<400x3xf32, #tpu.memory_space<vmem>>, vector<400x3xf32>
      %add3A_111 = arith.addf %get3A_110, %concatenate3A : vector<400x3xf32>
      %swap3A = arith.constant 0 : index
      %swap3A_112 = arith.constant 0 : index
      %swap3A_113 = vector.load %arg7[%swap3A, %swap3A_112] : memref<400x3xf32, #tpu.memory_space<vmem>>, vector<400x3xf32>
      tpu.vector_store %arg7[%swap3A, %swap3A_112], %add3A_111 {strides = array<i32>} : memref<400x3xf32, #tpu.memory_space<vmem>>, vector<400x3xf32>,
      %get3A_114 = arith.constant 0 : index
      %get3A_115 = arith.constant 0 : index
      %get3A_116 = vector.load %arg8[%get3A_114, %get3A_115] : memref<400x96xf32, #tpu.memory_space<vmem>>, vector<400x96xf32>
      %add3A_117 = arith.addf %get3A_116, %concatenate3A_100 : vector<400x96xf32>
      %swap3A_118 = arith.constant 0 : index
      %swap3A_119 = arith.constant 0 : index
      %swap3A_120 = vector.load %arg8[%swap3A_118, %swap3A_119] : memref<400x96xf32, #tpu.memory_space<vmem>>, vector<400x96xf32>
      tpu.vector_store %arg8[%swap3A_118, %swap3A_119], %add3A_117 {strides = array<i32>} : memref<400x96xf32, #tpu.memory_space<vmem>>, vector<400x96xf32>,
    } else {
    }
    return
  }
  func.func @transform_0(%arg0: i32, %arg1: i32) -> (i32, i32) {
    %c0_i32 = arith.constant 0 : i32
    %c0_i32_0 = arith.constant 0 : i32
    return %arg0, %c0_i32 : i32, i32
  }
  func.func @transform_1(%arg0: i32, %arg1: i32) -> (i32, i32) {
    %c0_i32 = arith.constant 0 : i32
    %c0_i32_0 = arith.constant 0 : i32
    return %arg0, %c0_i32 : i32, i32
  }
  func.func @transform_2(%arg0: i32, %arg1: i32) -> (i32, i32) {
    %c0_i32 = arith.constant 0 : i32
    %c0_i32_0 = arith.constant 0 : i32
    return %c0_i32, %arg1 : i32, i32
  }
  func.func @transform_3(%arg0: i32, %arg1: i32) -> (i32, i32) {
    %c0_i32 = arith.constant 0 : i32
    %c0_i32_0 = arith.constant 0 : i32
    return %c0_i32, %arg1 : i32, i32
  }
  func.func @transform_4(%arg0: i32, %arg1: i32) -> (i32, i32) {
    %c0_i32 = arith.constant 0 : i32
    %c0_i32_0 = arith.constant 0 : i32
    return %arg1, %c0_i32 : i32, i32
  }
  func.func @transform_5(%arg0: i32, %arg1: i32) -> (i32, i32) {
    %c0_i32 = arith.constant 0 : i32
    %c0_i32_0 = arith.constant 0 : i32
    return %arg0, %c0_i32 : i32, i32
  }
  func.func @transform_6(%arg0: i32, %arg1: i32) -> (i32, i32) {
    %c0_i32 = arith.constant 0 : i32
    %c0_i32_0 = arith.constant 0 : i32
    return %arg0, %c0_i32 : i32, i32
  }
}

module attributes {stable_mosaic.version = 14 : i64} {
  func.func @_matmul_kernel(%arg0: i32, %arg1: memref<2000x96xf32, #tpu.memory_space<vmem>>, %arg2: memref<96x64xf32, #tpu.memory_space<vmem>>, %arg3: memref<1x64xf32, #tpu.memory_space<vmem>>, %arg4: memref<2000x64xf32, #tpu.memory_space<vmem>>) attributes {dimension_semantics = [#tpu.dimension_semantics<arbitrary>], iteration_bounds = array<i64: 5>, scalar_prefetch = 0 : i64, scratch_operands = 0 : i64, tpu.core_type = #tpu.core_type<tc>, window_params = [{transform_indices = @transform_0, window_bounds = array<i64: 2000, 96>}, {pipeline_mode = #tpu.pipeline_mode<synchronous>, transform_indices = @transform_1, window_bounds = array<i64: 96, 64>}, {pipeline_mode = #tpu.pipeline_mode<synchronous>, transform_indices = @transform_2, window_bounds = array<i64: 1, 64>}, {transform_indices = @transform_3, window_bounds = array<i64: 2000, 64>}]} {
    %get3A = arith.constant 0 : index
    %get3A_0 = arith.constant 0 : index
    %get3A_1 = vector.load %arg1[%get3A, %get3A_0] : memref<2000x96xf32, #tpu.memory_space<vmem>>, vector<2000x96xf32>
    %get3A_2 = arith.constant 0 : index
    %get3A_3 = arith.constant 0 : index
    %get3A_4 = vector.load %arg2[%get3A_2, %get3A_3] : memref<96x64xf32, #tpu.memory_space<vmem>>, vector<96x64xf32>
    %dot_general3A = arith.constant dense<0.000000e+00> : vector<2000x64xf32>
    %dot_general3A_5 = tpu.matmul %get3A_1, %get3A_4, %dot_general3A {dimension_numbers = #tpu.dot_dimension_numbers<[1], [0], [0], [1], [0, 0, 1, 1], [], []>, transpose_lhs_hint = false} : vector<2000x96xf32>, vector<96x64xf32>, vector<2000x64xf32> -> vector<2000x64xf32>
    %get3A_6 = arith.constant 0 : index
    %get3A_7 = arith.constant 0 : index
    %get3A_8 = vector.load %arg3[%get3A_6, %get3A_7] : memref<1x64xf32, #tpu.memory_space<vmem>>, vector<1x64xf32>
    %add3A = vector.broadcast %get3A_8 : vector<1x64xf32> to vector<2000x64xf32>
    %add3A_9 = arith.addf %dot_general3A_5, %add3A : vector<2000x64xf32>
    %swap3A = arith.constant 0 : index
    %swap3A_10 = arith.constant 0 : index
    %swap3A_11 = vector.load %arg4[%swap3A, %swap3A_10] : memref<2000x64xf32, #tpu.memory_space<vmem>>, vector<2000x64xf32>
    tpu.vector_store %arg4[%swap3A, %swap3A_10], %add3A_9 {strides = array<i32>} : memref<2000x64xf32, #tpu.memory_space<vmem>>, vector<2000x64xf32>,
    return
  }
  func.func @transform_0(%arg0: i32) -> (i32, i32) {
    %c0_i32 = arith.constant 0 : i32
    %c0_i32_0 = arith.constant 0 : i32
    return %arg0, %c0_i32 : i32, i32
  }
  func.func @transform_1(%arg0: i32) -> (i32, i32) {
    %c0_i32 = arith.constant 0 : i32
    %c0_i32_0 = arith.constant 0 : i32
    %c0_i32_1 = arith.constant 0 : i32
    return %c0_i32, %c0_i32_0 : i32, i32
  }
  func.func @transform_2(%arg0: i32) -> (i32, i32) {
    %c0_i32 = arith.constant 0 : i32
    %c0_i32_0 = arith.constant 0 : i32
    %c0_i32_1 = arith.constant 0 : i32
    return %c0_i32, %c0_i32_0 : i32, i32
  }
  func.func @transform_3(%arg0: i32) -> (i32, i32) {
    %c0_i32 = arith.constant 0 : i32
    %c0_i32_0 = arith.constant 0 : i32
    return %arg0, %c0_i32 : i32, i32
  }
}

</mosaic_0001>

<sc_bundles>
// kernel: gather_offload_async_start.1
scs
__scs_entry_jumppad:
0x0: {  	(pc) =	sbr.rel $0x88, $3  }
0x1: {  	(tag) =	ssettag $0x0;
	lr =	simm.s32 $0x1  }
0x2: {  	[smem:$0x3F81] =	sst lr;
	_ =	strace $0xD0000000  }
0x3: {  	_ = 	snop  }
0x4: {  	_ = 	snop  }
0x5: {  	_ = 	snop  }
0x6: {  	_ = 	snop  }
0x7: {  	_ = 	snop  }
__scs_overlays_trampoline_lowered:
0x8: {  	[smem:$0x3F90] =	sst s0  }
0x9: {  	[smem:$0x3F91] =	sst s1  }
0xa: {  	[smem:$0x3F92] =	sst s2  }
0xb: {  	[smem:$0x3F93] =	sst s3  }
0xc: {  	[smem:$0x3F94] =	sst s4  }
0xd: {  	[smem:$0x3F95] =	sst s5  }
0xe: {  	[smem:$0x3F96] =	sst s6  }
0xf: {  	[smem:$0x3F97] =	sst s7  }
0x10: {  	[smem:$0x3F98] =	sst s8  }
0x11: {  	[smem:$0x3F99] =	sst s9;
	s0 =	simm.s32 @!p0 $0x0  }
0x12: {  	s1 =	sld [smem:$0x3F7F];
	s0 =	simm.s32 @p0 $0x1  }
0x13: {  	[smem:$0x3F9A] =	sst s0;
	s0 =	simm.s32 @!p1 $0x0  }
0x14: {  	s2 =	sld [smem:$0x3F7E];
	s0 =	simm.s32 @p1 $0x1  }
0x15: {  	[smem:$0x3F9B] =	sst s0;
	s0 =	simm.s32 @!p2 $0x0  }
0x16: {  	s3 =	sld [smem:$0x3FDB];
	s0 =	simm.s32 @p2 $0x1  }
0x17: {  	s4 =	simm.s32 $0x1BF5;
	[smem:$0x3F9D] =	sst s0  }
0x18: {  	s0 =	sld [smem:$0x3F80];
	_ =	swait.ge [sflag:s4], $0x0  }
0x19: {  	s7 =	sld [smem:$0x3F81]  }
0x1a: {  	s8 =	sadd.s32 $0xFFFFE003, lr  }
0x1b: {  	s9 =	sadd.s32 $0xFFFFFEF7, lr;
	s5 =	simm.s32 $0xFFFFFFFF;
	p2 =	slt.u32 s8, $0xFFFFF086  }
0x1c: {  	p1 =	slt.u32 s9, $0xF7A;
	s5 =	simm.s32 @!p2 $0x0  }
0x1d: {  	s5 =	simm.s32 @p1 $0x1;
	p0 =	seq.s32 s7, s2  }
0x1e: {  	s7 =	smul.u32 @!p0 $0xF7A, s2;
	p2 =	seq.s32 @!p0 s5, $0x0  }
0x1f: {  	s9 =	smul.u32 $0xF7A, s1;
	s8 =	simm.s32 @!p0 $0x1BF5;
	p2 =	por !p2, p0  }
0x20: {  	[sflag:s8] =	ssyncset.s32 @!p0 $0xFFFFF086;
	s6 =	sadd.s32 @!p0 s3, s7;
	s7 =	simm.s32 @!p0 $0x108  }
0x21: {  	s3 =	sadd.s32 s3, s9;
	s6 =	sadd.s32 @!p0 $0x88, s6;
	s7 =	simm.s32 @p2 $0x1082  }
0x22: {  	[simem:s7], [sflag:s8] =	dma.local @!p0 [hbm:s6], $0xF7A  }
0x23: {  	s9 =	sor.u32 $0xD0000000, s2;
	s6 =	simm.s32 $0x108;
	_ =	swait.ge @!p0 [sflag:s8], $0x0  }
0x24: {  	s3 =	sadd.s32 $0x88, s3;
	s6 =	simm.s32 @!p1 $0x1082;
	[sflag:s4] =	ssyncset.s32 $0xFFFFF086  }
0x25: {  	[simem:s6], [sflag:s4] =	dma.local [hbm:s3], $0xF7A  }
0x26: {  	[smem:$0x3F81] =	sst s1;
	(tag) =	ssettag s2;
	_ =	strace s9  }
0x27: {  	s1 =	sld [smem:$0x3F91]  }
0x28: {  	s2 =	sld [smem:$0x3F92]  }
0x29: {  	s4 =	sld [smem:$0x3F94]  }
0x2a: {  	p0 =	seq.s32 s5, $0x0;
	s5 =	sld [smem:$0x3F95]  }
0x2b: {  	s6 =	sld [smem:$0x3F96]  }
0x2c: {  	s7 =	sld [smem:$0x3F97]  }
0x2d: {  	s3 =	simm.s32 $0x108;
	s8 =	sld [smem:$0x3F98]  }
0x2e: {  	s3 =	simm.s32 @!p0 $0x1082;
	s9 =	sld [smem:$0x3F99]  }
0x2f: {  	lr =	sadd.s32 s0, s3;
	s0 =	sld [smem:$0x3F90]  }
0x30: {  	s3 =	sld [smem:$0x3F93]  }
0x31: {  	[smem:$0x3F9C] =	sst s10  }
0x32: {  	s10 =	sld [smem:$0x3F9A];
	_ =	sdelay $0x3  }
0x33: {  	p0 =	seq.s32 s10, $0x1;
	s10 =	sld [smem:$0x3F9C];
	_ =	sdelay $0x3  }
0x34: {  	[smem:$0x3F9C] =	sst s10  }
0x35: {  	s10 =	sld [smem:$0x3F9B];
	_ =	sdelay $0x3  }
0x36: {  	p1 =	seq.s32 s10, $0x1;
	s10 =	sld [smem:$0x3F9C];
	_ =	sdelay $0x3  }
0x37: {  	[smem:$0x3F9C] =	sst s10  }
0x38: {  	s10 =	sld [smem:$0x3F9D]  }
0x39: {  	_ = 	snop;
	(pc) =	sbr.ind lr, $3  }
0x3a: {  	_ = 	snop  }
0x3b: {  	_ = 	snop  }
0x3c: {  	p2 =	seq.s32 s10, $0x1;
	s10 =	sld [smem:$0x3F9C]  }
0x3d: {  	_ =	shalt  }
0x3e: {  	_ =	shalt  }
0x3f: {  	_ =	shalt  }
0x40: {  	_ =	shalt  }
0x41: {  	_ =	shalt  }
0x42: {  	_ =	shalt  }
0x43: {  	_ =	shalt  }
0x44: {  	_ =	shalt  }
0x45: {  	_ =	shalt  }
0x46: {  	_ =	shalt  }
0x47: {  	_ =	shalt  }
0x48: {  	_ =	shalt  }
0x49: {  	_ =	shalt  }
0x4a: {  	_ =	shalt  }
0x4b: {  	_ =	shalt  }
0x4c: {  	_ =	shalt  }
0x4d: {  	_ =	shalt  }
0x4e: {  	_ =	shalt  }
0x4f: {  	_ =	shalt  }
0x50: {  	_ =	shalt  }
0x51: {  	_ =	shalt  }
0x52: {  	_ =	shalt  }
0x53: {  	_ =	shalt  }
0x54: {  	_ =	shalt  }
0x55: {  	_ =	shalt  }
0x56: {  	_ =	shalt  }
0x57: {  	_ =	shalt  }
0x58: {  	_ =	shalt  }
0x59: {  	_ =	shalt  }
0x5a: {  	_ =	shalt  }
0x5b: {  	_ =	shalt  }
0x5c: {  	_ =	shalt  }
0x5d: {  	_ =	shalt  }
0x5e: {  	_ =	shalt  }
0x5f: {  	_ =	shalt  }
0x60: {  	_ =	shalt  }
0x61: {  	_ =	shalt  }
0x62: {  	_ =	shalt  }
0x63: {  	_ =	shalt  }
0x64: {  	_ =	shalt  }
0x65: {  	_ =	shalt  }
0x66: {  	_ =	shalt  }
0x67: {  	_ =	shalt  }
0x68: {  	_ =	shalt  }
0x69: {  	_ =	shalt  }
0x6a: {  	_ =	shalt  }
0x6b: {  	_ =	shalt  }
0x6c: {  	_ =	shalt  }
0x6d: {  	_ =	shalt  }
0x6e: {  	_ =	shalt  }
0x6f: {  	_ =	shalt  }
0x70: {  	_ =	shalt  }
0x71: {  	_ =	shalt  }
0x72: {  	_ =	shalt  }
0x73: {  	_ =	shalt  }
0x74: {  	_ =	shalt  }
0x75: {  	_ =	shalt  }
0x76: {  	_ =	shalt  }
0x77: {  	_ =	shalt  }
0x78: {  	_ =	shalt  }
0x79: {  	_ =	shalt  }
0x7a: {  	_ =	shalt  }
0x7b: {  	_ =	shalt  }
0x7c: {  	_ =	shalt  }
0x7d: {  	_ =	shalt  }
0x7e: {  	_ =	shalt  }
0x7f: {  	_ =	shalt  }
0x80: {  	_ =	shalt  }
0x81: {  	_ =	shalt  }
0x82: {  	_ =	shalt  }
0x83: {  	_ =	shalt  }
0x84: {  	_ =	shalt  }
0x85: {  	_ =	shalt  }
0x86: {  	_ =	shalt  }
0x87: {  	_ =	shalt  }
.Lfunc_end0:
.L_simem_size_0:
called_computation.1_lowered:
.L_overlay_start_0:
0x88: {  	s2 =	sld [smem:$0x3FD9]  }
0x89: {  	s3 =	sld [smem:$0x3FFE];
	_ =	sdelay $0x1  }
0x8a: {  	s1 =	srdreg.scid  }
0x8b: {  	s0 =	sand.u32 $0x1, s1  }
0x8c: {  	s17 =	sshll.u32 s0, $0xA;
	s2 =	sadd.s32 s3, s2  }
0x8d: {  	s2 =	sadd.s32 s2, s17  }
0x8e: {  	[smem:$0x3FA8] =	sst s2  }
0x8f: {  	_ = 	snop  }
0x90: {  	(tm) =	ssettm $0x1  }
0x91: {  	s18 =	sld [smem:$0x3FFB];
	_ =	sdelay $0x3  }
0x92: {  	_ =	strace s18  }
0x93: {  	s2 =	sld [smem:$0x3FFC];
	_ =	sdelay $0x3  }
0x94: {  	_ =	strace s2  }
0x95: {  	s2 =	sld [smem:$0x3FFD];
	_ =	sdelay $0x3  }
0x96: {  	_ =	strace s2  }
0x97: {  	_ =	strace $0x8FFFFFFF  }
0x98: {  	s19 =	sld [smem:$0x3FDB];
	_ =	sdelay $0x1  }
0x99: {  	s20 =	simm.s32 $_scs_section_size  }
0x9a: {  	s4 =	simm.s32 $_size__tile_overlayer_lowered;
	s5 =	simm.s32 $_tile_overlayer_lowered  }
0x9b: {  	s6 =	simm.s32 $0x1BFF;
	s21 =	sshll.u32 s5, $0x1;
	s3 =	sadd.s32 s20, s19  }
0x9c: {  	s22 =	simm.s32 $0x0;
	s4 =	sshll.u32 s4, $0x1;
	s5 =	sadd.s32 s21, s3  }
0x9d: {  	[timem:s22], [sflag:s6] =	dma.local [hbm:s5], s4  }
0x9e: {  	_ =	swait.ge [sflag:s6], s4  }
0x9f: {  	s4 =	ssub.s32 $0x0, s4;
	[sflag:s6] =	ssyncset.done $0x0  }
0xa0: {  	[sflag:s6] =	ssyncadd.s32 s4;
	_ =	sdelay $0x1  }
0xa1: {  	s23 =	simm.s32 $0x1B8B  }
0xa2: {  	_ =	swait.ge [sflag:s23], $0x1  }
0xa3: {  	[sflag:s23] =	ssyncset.done $0x0  }
0xa4: {  	[sflag:s23] =	ssyncadd.s32 $0xFFFFFFFF  }
0xa5: {  	s4 =	sld [smem:$0x0]  }
0xa6: {  	s5 =	sand.u32 $0xFFFFFFFE, s1  }
0xa7: {  	p0 =	sne.s32 s1, s5  }
0xa8: {  	s5 =	sshll.u32 @p0 s5, $0xE  }
0xa9: {  	s5 =	sadd.s32 @p0 $0x11B8D, s5;
	s6 =	sshll.u32 @p0 s4, $0x11  }
0xaa: {  	s5 =	sor.u32 @p0 s6, s5  }
0xab: {  	[sflag:s5] =	ssyncadd.remote.s32 @p0 $0x1;
	_ =	sdelay $0x1  }
0xac: {  	s5 =	simm.s32 @p0 $0x1B8D  }
0xad: {  	_ =	swait.eq @p0 [sflag:s5], $0x1  }
0xae: {  	[sflag:s5] =	ssyncadd.s32 @p0 $0xFFFFFFFF  }
0xaf: {  	s6 =	sshll.u32 @!p0 s1, $0xE  }
0xb0: {  	s6 =	sor.u32 @!p0 $0x4000, s6;
	s5 =	simm.s32 @!p0 $0x1B8D  }
0xb1: {  	s4 =	sshll.u32 @!p0 s4, $0x11;
	s6 =	sadd.s32 @!p0 $0x11B8D, s6;
	_ =	swait.eq @!p0 [sflag:s5], $0x1  }
0xb2: {  	s4 =	sor.u32 @!p0 s4, s6;
	[sflag:s5] =	ssyncadd.s32 @!p0 $0xFFFFFFFF  }
0xb3: {  	s25 =	simm.s32 $0x1B8E;
	s24 =	sld [smem:$0x3FFE];
	[sflag:s4] =	ssyncadd.remote.s32 @!p0 $0x1  }
0xb4: {  	s26 =	simm.s32 $execute0_lowered;
	[smem:$0x3FD2] =	sst s25  }
0xb5: {  	s5 =	sshll.u32 s26, $0x1;
	_ =	strace $0x80000049;
	[dreg:$0x1] =	wrdreg $0xFFFFFFFF  }
0xb6: {  	s28 =	simm.s32 $_size_execute0_lowered;
	s3 =	sadd.s32 s3, s5;
	[dreg:$0x0] =	wrdreg $0x0  }
0xb7: {  	s5 =	sshll.u32 s28, $0x1;
	[dreg:$0x2] =	wrdreg s3  }
0xb8: {  	[dreg:$0x3] =	wrdreg s5  }
0xb9: {  	[dreg:$0x4] =	wrdreg $0xC0  }
0xba: {  	_ =	task [dreg:s22], $0x5FFFF  }
0xbb: {  	[dreg:$0x1] =	wrdreg $0xFFFFFFFF  }
0xbc: {  	[dreg:$0x0] =	wrdreg $0x60  }
0xbd: {  	[dreg:$0x2] =	wrdreg s24  }
0xbe: {  	[dreg:$0x3] =	wrdreg $0xA  }
0xbf: {  	_ =	task.clear_ibuf [dreg:s22], $0x4FFFF;
	_ =	strace $0x90000049  }
0xc0: {  	s29 =	simm.s32 $0xA;
	_ =	strace $0x8000004B  }
0xc1: {  	_ =	swait.ge [sflag:s29], $0x1  }
0xc2: {  	[sflag:s29] =	ssyncadd.s32 $0xFFFFFFFF  }
0xc3: {  	_ =	strace $0x9000004B  }
0xc4: {  	_ =	sfence  }
0xc5: {  	s30 =	sld [smem:$0x0];
	_ =	sdelay $0x2  }
0xc6: {  	s31 =	sshll.u32 s1, $0xD;
	s1 =	sshrl.u32 s1, $0x2  }
0xc7: {  	s4 =	sand.u32 $0x4000, s31;
	s1 =	sadd.s32 s1, s30  }
0xc8: {  	s0 =	sor.u32 s4, s0;
	s1 =	sshll.u32 s1, $0x11  }
0xc9: {  	s0 =	sor.u32 s1, s0  }
0xca: {  	s0 =	sadd.s32 $0x8F2B, s0  }
0xcb: {  	[sflag:s0] =	ssyncadd.remote.s32 $0x1  }
0xcc: {  	_ =	sfence.sel $0xFFFF  }
0xcd: {  	[dreg:$0x0] =	wrdreg $0xFFFFFFFF;
	(pc) =	sbr.abs _section_cstart, $3  }
0xce: {  	[dreg:$0x1] =	wrdreg $0xFFFFFFFF  }
0xcf: {  	_ =	task.clear_ibuf [dreg:s22], $0x2FFFF;
	_ =	strace $0x9FFFFFFF  }
0xd0: {  	(tm) =	ssettm $0x7FFFFFFF  }
0xd1: {  	_ =	shalt  }
tec
execute0_lowered:
.L_overlay_start_1:
0x0: {  	(tag) =	ssettag $0x1  }
0x1: {  	s0 =	srdreg.scid  }
0x2: {  	s1 =	sshll.u32 s0, $0x4  }
0x3: {  	s0 =	stileid.u32;
	s1 =	sand.u32 $0x10, s1  }
0x4: {  	s1 =	sor.u32 s0, s1  }
0x5: {  	s2 =	smul.u32 $0xF, s1  }
0x6: {  	s3 =	smin.u32 s1, $0x14  }
0x7: {  	s2 =	sadd.s32 s3, s2  }
0x8: {  	p0 =	slt.u32 s1, $0x14;
	s1 =	simm.s32 $0x1400;
	s2 =	smul.u32 $0x140, s2  }
0x9: {  	s1 =	simm.s32 @!p0 $0x12C0  }
0xa: {  	s1 =	sadd.s32 s1, s2  }
0xb: {  	s3 =	smin.u32 s1, $0x27100  }
0xc: {  	s7 =	ssub.s32 s3, s2  }
0xd: {  	p0 =	sgt.s32 s7, $0x0  }
0xe: {  	s7 =	simm.s32 @!p0 $0x0  }
0xf: {  	s4 =	smulhi.u32 $0x66666667, s7  }
0x10: {  	s9 =	rddreg [dreg:$0x0];
	s6 =	simm.s32 $0x1;
	s11 =	simm.s32 $0x3  }
0x11: {  	s13 =	simm.s32 $0x0;
	s12 =	simm.s32 $0x0;
	s8 =	sshrl.u32 s4, $0x7  }
0x12: {  	s1 =	rddreg [dreg:$0x1];
	_ =	strace $0x8000004A;
	s10 =	smul.u32 $0x140, s8  }
.Ltmp0:
0x13: {  	s5 =	sadd.s32 $0x1AA200, s9;
	[sflag:s6] =	ssyncpa.u1 $0x0;
	(pc) =	sbr.rel .LBB2_1-.Ltmp0, $4  }
0x14: {  	s4 =	sadd.s32 $0xA400, s9;
	p0 =	sne.s32 s7, s10;
	s10 =	simm.s32 $0x1  }
0x15: {  	s9 =	sadd.s32 $0x1F0400, s9;
	s7 =	simm.s32 $0x2;
	s10 =	simm.s32 @!p0 $0x0  }
0x16: {  	[sflag:s7] =	ssyncpa.u1 $0x0;
	p0 =	por $0x0, $0x0;
	s8 =	sadd.s32 s10, s8  }
0x17: {  	vm0 =	vmmov $0xff;
	vm1 =	vcmask $0x3F20;
	[sflag:s11] =	ssyncpa.u1 $0x0;
	s11 =	smov.u32 s2;
	s10 =	sadd.s32 $0x1, s8  }
.LBB2_6:
0x18: {  	[hbm:s17] =	stream.linear.scatter [tilespmem:s14], [sflag:$0x3], $0x400, $0x38;
	[tilespmem:$0x14280] =	vst v63  }
.LBB2_7:
0x19: {  	s13 =	sadd.s32 $0x140, s11  }
0x1a: {  	s15 =	smov.u32 s2;
	p2 =	slt.s32 s13, s3  }
0x1b: {  	s15 =	smov.u32 @p2 s13;
	p2 =	sne.s32 s12, s10  }
.Ltmp1:
0x1c: {  	p1 =	slt.u32 s12, $0x2;
	(pc) =	sbr.rel @!p2 .LBB2_8-.Ltmp1, $4  }
0x1d: {  	s14 =	simm.s32 @!p1 $0x3  }
0x1e: {  	s16 =	sadd.s32 $0x1, s12;
	_ =	swait.ge @!p1 [sflag:s14], $0xA000  }
0x1f: {  	p0 =	por !p0, !p0;
	s13 =	smov.u32 s11;
	[sflag:s14] =	ssyncset.done @!p1 $0x0  }
0x20: {  	s12 =	smov.u32 s16;
	s11 =	smov.u32 s15;
	[sflag:s14] =	ssyncadd.s32 @!p1 $0xFFFF6000  }
.LBB2_1:
0x21: {  	p1 =	sge.u32 s12, s8  }
0x22: {  	s14 =	sxor.u32 @!p1 $0xFFFFFFFF, s12  }
0x23: {  	s14 =	sand.u32 @!p1 $0x1, s14  }
0x24: {  	s14 =	smul.u32 @!p1 $0x500, s14  }
0x25: {  	s31 =	sadd.s32 $0xFFFFFFFF, s12;
	s15 =	sshrl.u32 @!p1 s11, $0x3  }
0x26: {  	s16 =	sand.u32 @!p1 $0x7, s11;
	s15 =	sadd.s32 @!p1 s5, s15;
	s14 =	sshrl.u32 @!p1 s14, $0x2  }
0x27: {  	[tilespmem:s14], [sflag:$0x2] =	stream.linear.gather @!p1 [hbm4b:s15+s16], $0x140, $0x38;
	[tilespmem:$0x14280] =	vst v63  }
0x28: {  	p1 =	sge.u32 s31, s8  }
.Ltmp2:
0x29: {  	_ = 	snop;
	(pc) =	sbr.rel @p1 .LBB2_7-.Ltmp2, $1  }
0x2a: {  	_ =	sdelay $0x3  }
0x2b: {  	s14 =	simm.s32 $0x1  }
0x2c: {  	s14 =	simm.s32 @!p0 $0x0  }
0x2d: {  	s15 =	smul.u32 $0x500, s14  }
0x2e: {  	_ =	swait.ge [sflag:s7], $0x140  }
0x2f: {  	[sflag:s7] =	ssyncset.done $0x0;
	s16 =	sshrl.u32 s15, $0x2  }
0x30: {  	[sflag:s7] =	ssyncadd.s32 $0xFFFFFEC0;
	s15 =	sadd.s32 $0x0, s16  }
0x31: {  	v0 =	vld.msk [tilespmem:s15+$0x0 ss:$0x1], $0xffff;
	_ =	sdelay $0x4  }
0x32: {  	vm2 =	vgt.s32 v0, $0x0  }
0x33: {  	v0 =	vnsel vm2, $0x0, v0  }
0x34: {  	v0 =	vmin.u32 v0, $0x1869F  }
0x35: {  	v0 =	vshll.u32 v0, $0x4  }
0x36: {  	s14 =	smul.u32 $0x28000, s14;
	_ =	sdelay $0x1  }
0x37: {  	s14 =	sshrl.u32 s14, $0x2  }
0x38: {  	s14 =	sor.u32 $0x280, s14  }
0x39: {  	[tilespmem:s14], [sflag:$0x1] =	stream.indirect_vreg.gather [hbm:s4], $0x80, v0, vm0, $0x38;
	[tilespmem:$0x14280] =	vst v63  }
0x3a: {  	s17 =	sadd.s32 $0x10, s16;
	s15 =	sadd.s32 $0x400, s14  }
0x3b: {  	[tilespmem:s15], [sflag:$0x1] =	stream.indirect_vreg.gather [hbm:s4], $0x80, v0, vm1, $0x38;
	[tilespmem:$0x14280] =	vst v63  }
0x3c: {  	s18 =	simm.s32 $0x80;
	v0 =	vld.msk [tilespmem:s17+$0x0 ss:$0x1], $0xffff;
	s17 =	smov.u32 s14  }
.LBB2_3:
0x3d: {  	p1 =	sne.s32 s18, $0x4C0;
	_ =	sdelay $0x4  }
0x3e: {  	vm2 =	vgt.s32 v0, $0x0  }
0x3f: {  	v0 =	vnsel vm2, $0x0, v0  }
0x40: {  	v0 =	vmin.u32 v0, $0x1869F  }
0x41: {  	v0 =	vshll.u32 v0, $0x4;
	_ =	sdelay $0x3  }
.Ltmp3:
0x42: {  	s19 =	sshra.s32 s18, $0x2;
	s17 =	sadd.s32 $0x800, s17;
	(pc) =	sbr.rel @p1 .LBB2_3-.Ltmp3, $4  }
0x43: {  	[tilespmem:s17], [sflag:$0x1] =	stream.indirect_vreg.gather [hbm:s4], $0x80, v0, vm0, $0x38;
	[tilespmem:$0x14280] =	vst v63  }
0x44: {  	s19 =	sadd.s32 s19, s16;
	s20 =	sadd.s32 $0x400, s17  }
0x45: {  	[tilespmem:s20], [sflag:$0x1] =	stream.indirect_vreg.gather [hbm:s4], $0x80, v0, vm1, $0x38;
	[tilespmem:$0x14280] =	vst v63  }
0x46: {  	s18 =	sadd.s32 $0x40, s18;
	v0 =	vld.msk [tilespmem:s19+$0x0 ss:$0x1], $0xffff  }
0x47: {  	_ =	sdelay $0x3  }
0x48: {  	vm2 =	vgt.s32 v0, $0x0  }
0x49: {  	v0 =	vnsel vm2, $0x0, v0  }
0x4a: {  	v0 =	vmin.u32 v0, $0x1869F  }
0x4b: {  	v0 =	vshll.u32 v0, $0x4;
	_ =	sdelay $0x3  }
0x4c: {  	s16 =	sadd.s32 $0x800, s17  }
0x4d: {  	[tilespmem:s16], [sflag:$0x1] =	stream.indirect_vreg.gather [hbm:s4], $0x80, v0, vm0, $0x38;
	[tilespmem:$0x14280] =	vst v63  }
0x4e: {  	s16 =	sadd.s32 $0x400, s16  }
0x4f: {  	[tilespmem:s16], [sflag:$0x1] =	stream.indirect_vreg.gather [hbm:s4], $0x80, v0, vm1, $0x38;
	[tilespmem:$0x14280] =	vst v63  }
0x50: {  	s13 =	sshll.u32 s13, $0x4;
	_ =	swait.ge [sflag:s6], $0xA000  }
0x51: {  	s13 =	sadd.s32 s13, s9;
	[sflag:s6] =	ssyncset.done $0x0  }
0x52: {  	s17 =	sadd.s32 $0x0, s13;
	s16 =	simm.s32 $0x80;
	[sflag:s6] =	ssyncadd.s32 $0xFFFF6000  }
.LBB2_5:
0x53: {  	[hbm:s17] =	stream.linear.scatter [tilespmem:s14], [sflag:$0x3], $0x400, $0x38;
	[tilespmem:$0x14280] =	vst v63  }
0x54: {  	s17 =	smov.u32 s16;
	s14 =	smov.u32 s15;
	p1 =	sne.s32 s16, $0x1380  }
.Ltmp4:
0x55: {  	s16 =	sadd.s32 $0x80, s16;
	(pc) =	sbr.rel @p1 .LBB2_5-.Ltmp4, $2  }
0x56: {  	_ =	sdelay $0x2  }
0x57: {  	s15 =	sadd.s32 $0x400, s15;
	s17 =	sadd.s32 s17, s13  }
.Ltmp5:
0x58: {  	_ = 	snop;
	(pc) =	sbr.rel .LBB2_6-.Ltmp5, $1  }
0x59: {  	_ =	sdelay $0x3  }
.LBB2_8:
0x5a: {  	_ =	sfence.sel $0x180000  }
0x5b: {  	s2 =	simm.s32 $0x2;
	[bflag:$0x0] =	sbarrier.arrive $0xFFFF  }
0x5c: {  	s30 =	simm.s32 $0x3;
	[sflag:s2] =	ssyncpa.u1 $0x1  }
0x5d: {  	s31 =	simm.s32 $0x1;
	[sflag:s30] =	ssyncpa.u1 $0x1  }
0x5e: {  	[sflag:s31] =	ssyncpa.u1 $0x1  }
0x5f: {  	p0 =	sne.s32 s0, $0x0;
	_ =	strace $0x9000004A  }
0x60: {  	s0 =	sadd.s32 @!p0 $0x100000, s1;
	[bflag:$0x2] =	sbarrier.arrive $0xFFFF  }
0x61: {  	[sflag:s0] =	ssyncadd.tile.s32 @!p0 $0x1;
	_ =	shalt  }
.Lfunc_end2:
_tile_overlayer_lowered:
.L_overlay_start_2:
0x62: {  	(tag) =	ssettag $0x2  }
0x63: {  	s0 =	rddreg [dreg:$0x0];
	s2 =	stileid.u32  }
0x64: {  	s1 =	rddreg [dreg:$0x1];
	p0 =	sne.s32 s2, $0x0  }
0x65: {  	s3 =	rddreg [dreg:$0x2];
	[bflag:$0x3] =	sbarrier.arrive $0xFFFF;
	s2 =	simm.s32 @!p0 $0x1C01  }
0x66: {  	[timem:s3], [sflag:s2] =	dma.local @!p0 [hbm:s0], s1  }
0x67: {  	s0 =	simm.s32 @!p0 $0x1  }
0x68: {  	_ =	swait.ge @!p0 [sflag:s0], s1  }
0x69: {  	s1 =	ssub.s32 @!p0 $0x0, s1;
	[sflag:s0] =	ssyncset.done @!p0 $0x0  }
0x6a: {  	[sflag:s0] =	ssyncadd.s32 @!p0 s1  }
0x6b: {  	[bflag:$0x3] =	sbarrier.arrive $0xFFFF  }
0x6c: {  	_ =	shalt  }

// kernel: gather_offload_async_start.2
scs
__scs_entry_jumppad:
0x0: {  	(pc) =	sbr.rel $0x88, $3  }
0x1: {  	(tag) =	ssettag $0x0;
	lr =	simm.s32 $0x1  }
0x2: {  	[smem:$0x3F81] =	sst lr;
	_ =	strace $0xD0000000  }
0x3: {  	_ = 	snop  }
0x4: {  	_ = 	snop  }
0x5: {  	_ = 	snop  }
0x6: {  	_ = 	snop  }
0x7: {  	_ = 	snop  }
__scs_overlays_trampoline_lowered:
0x8: {  	[smem:$0x3F90] =	sst s0  }
0x9: {  	[smem:$0x3F91] =	sst s1  }
0xa: {  	[smem:$0x3F92] =	sst s2  }
0xb: {  	[smem:$0x3F93] =	sst s3  }
0xc: {  	[smem:$0x3F94] =	sst s4  }
0xd: {  	[smem:$0x3F95] =	sst s5  }
0xe: {  	[smem:$0x3F96] =	sst s6  }
0xf: {  	[smem:$0x3F97] =	sst s7  }
0x10: {  	[smem:$0x3F98] =	sst s8  }
0x11: {  	[smem:$0x3F99] =	sst s9;
	s0 =	simm.s32 @!p0 $0x0  }
0x12: {  	s1 =	sld [smem:$0x3F7F];
	s0 =	simm.s32 @p0 $0x1  }
0x13: {  	[smem:$0x3F9A] =	sst s0;
	s0 =	simm.s32 @!p1 $0x0  }
0x14: {  	s2 =	sld [smem:$0x3F7E];
	s0 =	simm.s32 @p1 $0x1  }
0x15: {  	[smem:$0x3F9B] =	sst s0;
	s0 =	simm.s32 @!p2 $0x0  }
0x16: {  	s3 =	sld [smem:$0x3FDB];
	s0 =	simm.s32 @p2 $0x1  }
0x17: {  	s4 =	simm.s32 $0x1BF5;
	[smem:$0x3F9D] =	sst s0  }
0x18: {  	s0 =	sld [smem:$0x3F80];
	_ =	swait.ge [sflag:s4], $0x0  }
0x19: {  	s7 =	sld [smem:$0x3F81]  }
0x1a: {  	s8 =	sadd.s32 $0xFFFFE003, lr  }
0x1b: {  	s9 =	sadd.s32 $0xFFFFFEF7, lr;
	s5 =	simm.s32 $0xFFFFFFFF;
	p2 =	slt.u32 s8, $0xFFFFF086  }
0x1c: {  	p1 =	slt.u32 s9, $0xF7A;
	s5 =	simm.s32 @!p2 $0x0  }
0x1d: {  	s5 =	simm.s32 @p1 $0x1;
	p0 =	seq.s32 s7, s2  }
0x1e: {  	s7 =	smul.u32 @!p0 $0xF7A, s2;
	p2 =	seq.s32 @!p0 s5, $0x0  }
0x1f: {  	s9 =	smul.u32 $0xF7A, s1;
	s8 =	simm.s32 @!p0 $0x1BF5;
	p2 =	por !p2, p0  }
0x20: {  	[sflag:s8] =	ssyncset.s32 @!p0 $0xFFFFF086;
	s6 =	sadd.s32 @!p0 s3, s7;
	s7 =	simm.s32 @!p0 $0x108  }
0x21: {  	s3 =	sadd.s32 s3, s9;
	s6 =	sadd.s32 @!p0 $0x88, s6;
	s7 =	simm.s32 @p2 $0x1082  }
0x22: {  	[simem:s7], [sflag:s8] =	dma.local @!p0 [hbm:s6], $0xF7A  }
0x23: {  	s9 =	sor.u32 $0xD0000000, s2;
	s6 =	simm.s32 $0x108;
	_ =	swait.ge @!p0 [sflag:s8], $0x0  }
0x24: {  	s3 =	sadd.s32 $0x88, s3;
	s6 =	simm.s32 @!p1 $0x1082;
	[sflag:s4] =	ssyncset.s32 $0xFFFFF086  }
0x25: {  	[simem:s6], [sflag:s4] =	dma.local [hbm:s3], $0xF7A  }
0x26: {  	[smem:$0x3F81] =	sst s1;
	(tag) =	ssettag s2;
	_ =	strace s9  }
0x27: {  	s1 =	sld [smem:$0x3F91]  }
0x28: {  	s2 =	sld [smem:$0x3F92]  }
0x29: {  	s4 =	sld [smem:$0x3F94]  }
0x2a: {  	p0 =	seq.s32 s5, $0x0;
	s5 =	sld [smem:$0x3F95]  }
0x2b: {  	s6 =	sld [smem:$0x3F96]  }
0x2c: {  	s7 =	sld [smem:$0x3F97]  }
0x2d: {  	s3 =	simm.s32 $0x108;
	s8 =	sld [smem:$0x3F98]  }
0x2e: {  	s3 =	simm.s32 @!p0 $0x1082;
	s9 =	sld [smem:$0x3F99]  }
0x2f: {  	lr =	sadd.s32 s0, s3;
	s0 =	sld [smem:$0x3F90]  }
0x30: {  	s3 =	sld [smem:$0x3F93]  }
0x31: {  	[smem:$0x3F9C] =	sst s10  }
0x32: {  	s10 =	sld [smem:$0x3F9A];
	_ =	sdelay $0x3  }
0x33: {  	p0 =	seq.s32 s10, $0x1;
	s10 =	sld [smem:$0x3F9C];
	_ =	sdelay $0x3  }
0x34: {  	[smem:$0x3F9C] =	sst s10  }
0x35: {  	s10 =	sld [smem:$0x3F9B];
	_ =	sdelay $0x3  }
0x36: {  	p1 =	seq.s32 s10, $0x1;
	s10 =	sld [smem:$0x3F9C];
	_ =	sdelay $0x3  }
0x37: {  	[smem:$0x3F9C] =	sst s10  }
0x38: {  	s10 =	sld [smem:$0x3F9D]  }
0x39: {  	_ = 	snop;
	(pc) =	sbr.ind lr, $3  }
0x3a: {  	_ = 	snop  }
0x3b: {  	_ = 	snop  }
0x3c: {  	p2 =	seq.s32 s10, $0x1;
	s10 =	sld [smem:$0x3F9C]  }
0x3d: {  	_ =	shalt  }
0x3e: {  	_ =	shalt  }
0x3f: {  	_ =	shalt  }
0x40: {  	_ =	shalt  }
0x41: {  	_ =	shalt  }
0x42: {  	_ =	shalt  }
0x43: {  	_ =	shalt  }
0x44: {  	_ =	shalt  }
0x45: {  	_ =	shalt  }
0x46: {  	_ =	shalt  }
0x47: {  	_ =	shalt  }
0x48: {  	_ =	shalt  }
0x49: {  	_ =	shalt  }
0x4a: {  	_ =	shalt  }
0x4b: {  	_ =	shalt  }
0x4c: {  	_ =	shalt  }
0x4d: {  	_ =	shalt  }
0x4e: {  	_ =	shalt  }
0x4f: {  	_ =	shalt  }
0x50: {  	_ =	shalt  }
0x51: {  	_ =	shalt  }
0x52: {  	_ =	shalt  }
0x53: {  	_ =	shalt  }
0x54: {  	_ =	shalt  }
0x55: {  	_ =	shalt  }
0x56: {  	_ =	shalt  }
0x57: {  	_ =	shalt  }
0x58: {  	_ =	shalt  }
0x59: {  	_ =	shalt  }
0x5a: {  	_ =	shalt  }
0x5b: {  	_ =	shalt  }
0x5c: {  	_ =	shalt  }
0x5d: {  	_ =	shalt  }
0x5e: {  	_ =	shalt  }
0x5f: {  	_ =	shalt  }
0x60: {  	_ =	shalt  }
0x61: {  	_ =	shalt  }
0x62: {  	_ =	shalt  }
0x63: {  	_ =	shalt  }
0x64: {  	_ =	shalt  }
0x65: {  	_ =	shalt  }
0x66: {  	_ =	shalt  }
0x67: {  	_ =	shalt  }
0x68: {  	_ =	shalt  }
0x69: {  	_ =	shalt  }
0x6a: {  	_ =	shalt  }
0x6b: {  	_ =	shalt  }
0x6c: {  	_ =	shalt  }
0x6d: {  	_ =	shalt  }
0x6e: {  	_ =	shalt  }
0x6f: {  	_ =	shalt  }
0x70: {  	_ =	shalt  }
0x71: {  	_ =	shalt  }
0x72: {  	_ =	shalt  }
0x73: {  	_ =	shalt  }
0x74: {  	_ =	shalt  }
0x75: {  	_ =	shalt  }
0x76: {  	_ =	shalt  }
0x77: {  	_ =	shalt  }
0x78: {  	_ =	shalt  }
0x79: {  	_ =	shalt  }
0x7a: {  	_ =	shalt  }
0x7b: {  	_ =	shalt  }
0x7c: {  	_ =	shalt  }
0x7d: {  	_ =	shalt  }
0x7e: {  	_ =	shalt  }
0x7f: {  	_ =	shalt  }
0x80: {  	_ =	shalt  }
0x81: {  	_ =	shalt  }
0x82: {  	_ =	shalt  }
0x83: {  	_ =	shalt  }
0x84: {  	_ =	shalt  }
0x85: {  	_ =	shalt  }
0x86: {  	_ =	shalt  }
0x87: {  	_ =	shalt  }
.Lfunc_end0:
.L_simem_size_0:
called_computation.2_lowered:
.L_overlay_start_0:
0x88: {  	s2 =	sld [smem:$0x3FD9]  }
0x89: {  	s3 =	sld [smem:$0x3FFE];
	_ =	sdelay $0x1  }
0x8a: {  	s1 =	srdreg.scid  }
0x8b: {  	s0 =	sand.u32 $0x1, s1  }
0x8c: {  	s17 =	sshll.u32 s0, $0xA;
	s2 =	sadd.s32 s3, s2  }
0x8d: {  	s2 =	sadd.s32 s2, s17  }
0x8e: {  	[smem:$0x3FA8] =	sst s2  }
0x8f: {  	_ = 	snop  }
0x90: {  	(tm) =	ssettm $0x1  }
0x91: {  	s18 =	sld [smem:$0x3FFB];
	_ =	sdelay $0x3  }
0x92: {  	_ =	strace s18  }
0x93: {  	s2 =	sld [smem:$0x3FFC];
	_ =	sdelay $0x3  }
0x94: {  	_ =	strace s2  }
0x95: {  	s2 =	sld [smem:$0x3FFD];
	_ =	sdelay $0x3  }
0x96: {  	_ =	strace s2  }
0x97: {  	_ =	strace $0x8FFFFFFF  }
0x98: {  	s19 =	sld [smem:$0x3FDB];
	_ =	sdelay $0x1  }
0x99: {  	s20 =	simm.s32 $_scs_section_size  }
0x9a: {  	s4 =	simm.s32 $_size__tile_overlayer_lowered;
	s5 =	simm.s32 $_tile_overlayer_lowered  }
0x9b: {  	s6 =	simm.s32 $0x1BFF;
	s21 =	sshll.u32 s5, $0x1;
	s3 =	sadd.s32 s20, s19  }
0x9c: {  	s22 =	simm.s32 $0x0;
	s4 =	sshll.u32 s4, $0x1;
	s5 =	sadd.s32 s21, s3  }
0x9d: {  	[timem:s22], [sflag:s6] =	dma.local [hbm:s5], s4  }
0x9e: {  	_ =	swait.ge [sflag:s6], s4  }
0x9f: {  	s4 =	ssub.s32 $0x0, s4;
	[sflag:s6] =	ssyncset.done $0x0  }
0xa0: {  	[sflag:s6] =	ssyncadd.s32 s4;
	_ =	sdelay $0x1  }
0xa1: {  	s23 =	simm.s32 $0x1B8B  }
0xa2: {  	_ =	swait.ge [sflag:s23], $0x1  }
0xa3: {  	[sflag:s23] =	ssyncset.done $0x0  }
0xa4: {  	[sflag:s23] =	ssyncadd.s32 $0xFFFFFFFF  }
0xa5: {  	s4 =	sld [smem:$0x0]  }
0xa6: {  	s5 =	sand.u32 $0xFFFFFFFE, s1  }
0xa7: {  	p0 =	sne.s32 s1, s5  }
0xa8: {  	s5 =	sshll.u32 @p0 s5, $0xE  }
0xa9: {  	s5 =	sadd.s32 @p0 $0x11B8D, s5;
	s6 =	sshll.u32 @p0 s4, $0x11  }
0xaa: {  	s5 =	sor.u32 @p0 s6, s5  }
0xab: {  	[sflag:s5] =	ssyncadd.remote.s32 @p0 $0x1;
	_ =	sdelay $0x1  }
0xac: {  	s5 =	simm.s32 @p0 $0x1B8D  }
0xad: {  	_ =	swait.eq @p0 [sflag:s5], $0x1  }
0xae: {  	[sflag:s5] =	ssyncadd.s32 @p0 $0xFFFFFFFF  }
0xaf: {  	s6 =	sshll.u32 @!p0 s1, $0xE  }
0xb0: {  	s6 =	sor.u32 @!p0 $0x4000, s6;
	s5 =	simm.s32 @!p0 $0x1B8D  }
0xb1: {  	s4 =	sshll.u32 @!p0 s4, $0x11;
	s6 =	sadd.s32 @!p0 $0x11B8D, s6;
	_ =	swait.eq @!p0 [sflag:s5], $0x1  }
0xb2: {  	s4 =	sor.u32 @!p0 s4, s6;
	[sflag:s5] =	ssyncadd.s32 @!p0 $0xFFFFFFFF  }
0xb3: {  	s25 =	simm.s32 $0x1B8E;
	s24 =	sld [smem:$0x3FFE];
	[sflag:s4] =	ssyncadd.remote.s32 @!p0 $0x1  }
0xb4: {  	s26 =	simm.s32 $execute0_lowered;
	[smem:$0x3FD2] =	sst s25  }
0xb5: {  	s5 =	sshll.u32 s26, $0x1;
	_ =	strace $0x8000004C;
	[dreg:$0x1] =	wrdreg $0xFFFFFFFF  }
0xb6: {  	s28 =	simm.s32 $_size_execute0_lowered;
	s3 =	sadd.s32 s3, s5;
	[dreg:$0x0] =	wrdreg $0x0  }
0xb7: {  	s5 =	sshll.u32 s28, $0x1;
	[dreg:$0x2] =	wrdreg s3  }
0xb8: {  	[dreg:$0x3] =	wrdreg s5  }
0xb9: {  	[dreg:$0x4] =	wrdreg $0xC0  }
0xba: {  	_ =	task [dreg:s22], $0x5FFFF  }
0xbb: {  	[dreg:$0x1] =	wrdreg $0xFFFFFFFF  }
0xbc: {  	[dreg:$0x0] =	wrdreg $0x60  }
0xbd: {  	[dreg:$0x2] =	wrdreg s24  }
0xbe: {  	[dreg:$0x3] =	wrdreg $0xB  }
0xbf: {  	_ =	task.clear_ibuf [dreg:s22], $0x4FFFF;
	_ =	strace $0x9000004C  }
0xc0: {  	s29 =	simm.s32 $0xB;
	_ =	strace $0x8000004E  }
0xc1: {  	_ =	swait.ge [sflag:s29], $0x1  }
0xc2: {  	[sflag:s29] =	ssyncadd.s32 $0xFFFFFFFF  }
0xc3: {  	_ =	strace $0x9000004E  }
0xc4: {  	_ =	sfence  }
0xc5: {  	s30 =	sld [smem:$0x0];
	_ =	sdelay $0x2  }
0xc6: {  	s31 =	sshll.u32 s1, $0xD;
	s1 =	sshrl.u32 s1, $0x2  }
0xc7: {  	s4 =	sand.u32 $0x4000, s31;
	s1 =	sadd.s32 s1, s30  }
0xc8: {  	s0 =	sor.u32 s4, s0;
	s1 =	sshll.u32 s1, $0x11  }
0xc9: {  	s0 =	sor.u32 s1, s0  }
0xca: {  	s0 =	sadd.s32 $0x8F2B, s0  }
0xcb: {  	[sflag:s0] =	ssyncadd.remote.s32 $0x1  }
0xcc: {  	_ =	sfence.sel $0xFFFF  }
0xcd: {  	[dreg:$0x0] =	wrdreg $0xFFFFFFFF;
	(pc) =	sbr.abs _section_cstart, $3  }
0xce: {  	[dreg:$0x1] =	wrdreg $0xFFFFFFFF  }
0xcf: {  	_ =	task.clear_ibuf [dreg:s22], $0x2FFFF;
	_ =	strace $0x9FFFFFFF  }
0xd0: {  	(tm) =	ssettm $0x7FFFFFFF  }
0xd1: {  	_ =	shalt  }
tec
execute0_lowered:
.L_overlay_start_1:
0x0: {  	(tag) =	ssettag $0x1  }
0x1: {  	s0 =	srdreg.scid  }
0x2: {  	s1 =	sshll.u32 s0, $0x4  }
0x3: {  	s0 =	stileid.u32;
	s1 =	sand.u32 $0x10, s1  }
0x4: {  	s1 =	sor.u32 s0, s1  }
0x5: {  	s2 =	smul.u32 $0xF, s1  }
0x6: {  	s3 =	smin.u32 s1, $0x14  }
0x7: {  	s2 =	sadd.s32 s3, s2  }
0x8: {  	p0 =	slt.u32 s1, $0x14;
	s1 =	simm.s32 $0x1400;
	s2 =	smul.u32 $0x140, s2  }
0x9: {  	s1 =	simm.s32 @!p0 $0x12C0  }
0xa: {  	s1 =	sadd.s32 s1, s2  }
0xb: {  	s3 =	smin.u32 s1, $0x27100  }
0xc: {  	s7 =	ssub.s32 s3, s2  }
0xd: {  	p0 =	sgt.s32 s7, $0x0  }
0xe: {  	s7 =	simm.s32 @!p0 $0x0  }
0xf: {  	s4 =	smulhi.u32 $0x66666667, s7  }
0x10: {  	s9 =	rddreg [dreg:$0x0];
	s6 =	simm.s32 $0x1;
	s11 =	simm.s32 $0x3  }
0x11: {  	s13 =	simm.s32 $0x0;
	s12 =	simm.s32 $0x0;
	s8 =	sshrl.u32 s4, $0x7  }
0x12: {  	s1 =	rddreg [dreg:$0x1];
	_ =	strace $0x8000004D;
	s10 =	smul.u32 $0x140, s8  }
.Ltmp0:
0x13: {  	s5 =	sadd.s32 $0x1B4200, s9;
	[sflag:s6] =	ssyncpa.u1 $0x0;
	(pc) =	sbr.rel .LBB2_1-.Ltmp0, $4  }
0x14: {  	s4 =	sadd.s32 $0xA400, s9;
	p0 =	sne.s32 s7, s10;
	s10 =	simm.s32 $0x1  }
0x15: {  	s9 =	sadd.s32 $0x4B2C00, s9;
	s7 =	simm.s32 $0x2;
	s10 =	simm.s32 @!p0 $0x0  }
0x16: {  	[sflag:s7] =	ssyncpa.u1 $0x0;
	p0 =	por $0x0, $0x0;
	s8 =	sadd.s32 s10, s8  }
0x17: {  	vm0 =	vmmov $0xff;
	vm1 =	vcmask $0x3F20;
	[sflag:s11] =	ssyncpa.u1 $0x0;
	s11 =	smov.u32 s2;
	s10 =	sadd.s32 $0x1, s8  }
.LBB2_6:
0x18: {  	[hbm:s17] =	stream.linear.scatter [tilespmem:s14], [sflag:$0x3], $0x400, $0x38;
	[tilespmem:$0x14280] =	vst v63  }
.LBB2_7:
0x19: {  	s13 =	sadd.s32 $0x140, s11  }
0x1a: {  	s15 =	smov.u32 s2;
	p2 =	slt.s32 s13, s3  }
0x1b: {  	s15 =	smov.u32 @p2 s13;
	p2 =	sne.s32 s12, s10  }
.Ltmp1:
0x1c: {  	p1 =	slt.u32 s12, $0x2;
	(pc) =	sbr.rel @!p2 .LBB2_8-.Ltmp1, $4  }
0x1d: {  	s14 =	simm.s32 @!p1 $0x3  }
0x1e: {  	s16 =	sadd.s32 $0x1, s12;
	_ =	swait.ge @!p1 [sflag:s14], $0xA000  }
0x1f: {  	p0 =	por !p0, !p0;
	s13 =	smov.u32 s11;
	[sflag:s14] =	ssyncset.done @!p1 $0x0  }
0x20: {  	s12 =	smov.u32 s16;
	s11 =	smov.u32 s15;
	[sflag:s14] =	ssyncadd.s32 @!p1 $0xFFFF6000  }
.LBB2_1:
0x21: {  	p1 =	sge.u32 s12, s8  }
0x22: {  	s14 =	sxor.u32 @!p1 $0xFFFFFFFF, s12  }
0x23: {  	s14 =	sand.u32 @!p1 $0x1, s14  }
0x24: {  	s14 =	smul.u32 @!p1 $0x500, s14  }
0x25: {  	s31 =	sadd.s32 $0xFFFFFFFF, s12;
	s15 =	sshrl.u32 @!p1 s11, $0x3  }
0x26: {  	s16 =	sand.u32 @!p1 $0x7, s11;
	s15 =	sadd.s32 @!p1 s5, s15;
	s14 =	sshrl.u32 @!p1 s14, $0x2  }
0x27: {  	[tilespmem:s14], [sflag:$0x2] =	stream.linear.gather @!p1 [hbm4b:s15+s16], $0x140, $0x38;
	[tilespmem:$0x14280] =	vst v63  }
0x28: {  	p1 =	sge.u32 s31, s8  }
.Ltmp2:
0x29: {  	_ = 	snop;
	(pc) =	sbr.rel @p1 .LBB2_7-.Ltmp2, $1  }
0x2a: {  	_ =	sdelay $0x3  }
0x2b: {  	s14 =	simm.s32 $0x1  }
0x2c: {  	s14 =	simm.s32 @!p0 $0x0  }
0x2d: {  	s15 =	smul.u32 $0x500, s14  }
0x2e: {  	_ =	swait.ge [sflag:s7], $0x140  }
0x2f: {  	[sflag:s7] =	ssyncset.done $0x0;
	s16 =	sshrl.u32 s15, $0x2  }
0x30: {  	[sflag:s7] =	ssyncadd.s32 $0xFFFFFEC0;
	s15 =	sadd.s32 $0x0, s16  }
0x31: {  	v0 =	vld.msk [tilespmem:s15+$0x0 ss:$0x1], $0xffff;
	_ =	sdelay $0x4  }
0x32: {  	vm2 =	vgt.s32 v0, $0x0  }
0x33: {  	v0 =	vnsel vm2, $0x0, v0  }
0x34: {  	v0 =	vmin.u32 v0, $0x1869F  }
0x35: {  	v0 =	vshll.u32 v0, $0x4  }
0x36: {  	s14 =	smul.u32 $0x28000, s14;
	_ =	sdelay $0x1  }
0x37: {  	s14 =	sshrl.u32 s14, $0x2  }
0x38: {  	s14 =	sor.u32 $0x280, s14  }
0x39: {  	[tilespmem:s14], [sflag:$0x1] =	stream.indirect_vreg.gather [hbm:s4], $0x80, v0, vm0, $0x38;
	[tilespmem:$0x14280] =	vst v63  }
0x3a: {  	s17 =	sadd.s32 $0x10, s16;
	s15 =	sadd.s32 $0x400, s14  }
0x3b: {  	[tilespmem:s15], [sflag:$0x1] =	stream.indirect_vreg.gather [hbm:s4], $0x80, v0, vm1, $0x38;
	[tilespmem:$0x14280] =	vst v63  }
0x3c: {  	s18 =	simm.s32 $0x80;
	v0 =	vld.msk [tilespmem:s17+$0x0 ss:$0x1], $0xffff;
	s17 =	smov.u32 s14  }
.LBB2_3:
0x3d: {  	p1 =	sne.s32 s18, $0x4C0;
	_ =	sdelay $0x4  }
0x3e: {  	vm2 =	vgt.s32 v0, $0x0  }
0x3f: {  	v0 =	vnsel vm2, $0x0, v0  }
0x40: {  	v0 =	vmin.u32 v0, $0x1869F  }
0x41: {  	v0 =	vshll.u32 v0, $0x4;
	_ =	sdelay $0x3  }
.Ltmp3:
0x42: {  	s19 =	sshra.s32 s18, $0x2;
	s17 =	sadd.s32 $0x800, s17;
	(pc) =	sbr.rel @p1 .LBB2_3-.Ltmp3, $4  }
0x43: {  	[tilespmem:s17], [sflag:$0x1] =	stream.indirect_vreg.gather [hbm:s4], $0x80, v0, vm0, $0x38;
	[tilespmem:$0x14280] =	vst v63  }
0x44: {  	s19 =	sadd.s32 s19, s16;
	s20 =	sadd.s32 $0x400, s17  }
0x45: {  	[tilespmem:s20], [sflag:$0x1] =	stream.indirect_vreg.gather [hbm:s4], $0x80, v0, vm1, $0x38;
	[tilespmem:$0x14280] =	vst v63  }
0x46: {  	s18 =	sadd.s32 $0x40, s18;
	v0 =	vld.msk [tilespmem:s19+$0x0 ss:$0x1], $0xffff  }
0x47: {  	_ =	sdelay $0x3  }
0x48: {  	vm2 =	vgt.s32 v0, $0x0  }
0x49: {  	v0 =	vnsel vm2, $0x0, v0  }
0x4a: {  	v0 =	vmin.u32 v0, $0x1869F  }
0x4b: {  	v0 =	vshll.u32 v0, $0x4;
	_ =	sdelay $0x3  }
0x4c: {  	s16 =	sadd.s32 $0x800, s17  }
0x4d: {  	[tilespmem:s16], [sflag:$0x1] =	stream.indirect_vreg.gather [hbm:s4], $0x80, v0, vm0, $0x38;
	[tilespmem:$0x14280] =	vst v63  }
0x4e: {  	s16 =	sadd.s32 $0x400, s16  }
0x4f: {  	[tilespmem:s16], [sflag:$0x1] =	stream.indirect_vreg.gather [hbm:s4], $0x80, v0, vm1, $0x38;
	[tilespmem:$0x14280] =	vst v63  }
0x50: {  	s13 =	sshll.u32 s13, $0x4;
	_ =	swait.ge [sflag:s6], $0xA000  }
0x51: {  	s13 =	sadd.s32 s13, s9;
	[sflag:s6] =	ssyncset.done $0x0  }
0x52: {  	s17 =	sadd.s32 $0x0, s13;
	s16 =	simm.s32 $0x80;
	[sflag:s6] =	ssyncadd.s32 $0xFFFF6000  }
.LBB2_5:
0x53: {  	[hbm:s17] =	stream.linear.scatter [tilespmem:s14], [sflag:$0x3], $0x400, $0x38;
	[tilespmem:$0x14280] =	vst v63  }
0x54: {  	s17 =	smov.u32 s16;
	s14 =	smov.u32 s15;
	p1 =	sne.s32 s16, $0x1380  }
.Ltmp4:
0x55: {  	s16 =	sadd.s32 $0x80, s16;
	(pc) =	sbr.rel @p1 .LBB2_5-.Ltmp4, $2  }
0x56: {  	_ =	sdelay $0x2  }
0x57: {  	s15 =	sadd.s32 $0x400, s15;
	s17 =	sadd.s32 s17, s13  }
.Ltmp5:
0x58: {  	_ = 	snop;
	(pc) =	sbr.rel .LBB2_6-.Ltmp5, $1  }
0x59: {  	_ =	sdelay $0x3  }
.LBB2_8:
0x5a: {  	_ =	sfence.sel $0x180000  }
0x5b: {  	s2 =	simm.s32 $0x2;
	[bflag:$0x0] =	sbarrier.arrive $0xFFFF  }
0x5c: {  	s30 =	simm.s32 $0x3;
	[sflag:s2] =	ssyncpa.u1 $0x1  }
0x5d: {  	s31 =	simm.s32 $0x1;
	[sflag:s30] =	ssyncpa.u1 $0x1  }
0x5e: {  	[sflag:s31] =	ssyncpa.u1 $0x1  }
0x5f: {  	p0 =	sne.s32 s0, $0x0;
	_ =	strace $0x9000004D  }
0x60: {  	s0 =	sadd.s32 @!p0 $0x100000, s1;
	[bflag:$0x2] =	sbarrier.arrive $0xFFFF  }
0x61: {  	[sflag:s0] =	ssyncadd.tile.s32 @!p0 $0x1;
	_ =	shalt  }
.Lfunc_end2:
_tile_overlayer_lowered:
.L_overlay_start_2:
0x62: {  	(tag) =	ssettag $0x2  }
0x63: {  	s0 =	rddreg [dreg:$0x0];
	s2 =	stileid.u32  }
0x64: {  	s1 =	rddreg [dreg:$0x1];
	p0 =	sne.s32 s2, $0x0  }
0x65: {  	s3 =	rddreg [dreg:$0x2];
	[bflag:$0x3] =	sbarrier.arrive $0xFFFF;
	s2 =	simm.s32 @!p0 $0x1C01  }
0x66: {  	[timem:s3], [sflag:s2] =	dma.local @!p0 [hbm:s0], s1  }
0x67: {  	s0 =	simm.s32 @!p0 $0x1  }
0x68: {  	_ =	swait.ge @!p0 [sflag:s0], s1  }
0x69: {  	s1 =	ssub.s32 @!p0 $0x0, s1;
	[sflag:s0] =	ssyncset.done @!p0 $0x0  }
0x6a: {  	[sflag:s0] =	ssyncadd.s32 @!p0 s1  }
0x6b: {  	[bflag:$0x3] =	sbarrier.arrive $0xFFFF  }
0x6c: {  	_ =	shalt  }

// kernel: gather_offload_async_start.3
scs
__scs_entry_jumppad:
0x0: {  	(pc) =	sbr.rel $0x88, $3  }
0x1: {  	(tag) =	ssettag $0x0;
	lr =	simm.s32 $0x1  }
0x2: {  	[smem:$0x3F81] =	sst lr;
	_ =	strace $0xD0000000  }
0x3: {  	_ = 	snop  }
0x4: {  	_ = 	snop  }
0x5: {  	_ = 	snop  }
0x6: {  	_ = 	snop  }
0x7: {  	_ = 	snop  }
__scs_overlays_trampoline_lowered:
0x8: {  	[smem:$0x3F90] =	sst s0  }
0x9: {  	[smem:$0x3F91] =	sst s1  }
0xa: {  	[smem:$0x3F92] =	sst s2  }
0xb: {  	[smem:$0x3F93] =	sst s3  }
0xc: {  	[smem:$0x3F94] =	sst s4  }
0xd: {  	[smem:$0x3F95] =	sst s5  }
0xe: {  	[smem:$0x3F96] =	sst s6  }
0xf: {  	[smem:$0x3F97] =	sst s7  }
0x10: {  	[smem:$0x3F98] =	sst s8  }
0x11: {  	[smem:$0x3F99] =	sst s9;
	s0 =	simm.s32 @!p0 $0x0  }
0x12: {  	s1 =	sld [smem:$0x3F7F];
	s0 =	simm.s32 @p0 $0x1  }
0x13: {  	[smem:$0x3F9A] =	sst s0;
	s0 =	simm.s32 @!p1 $0x0  }
0x14: {  	s2 =	sld [smem:$0x3F7E];
	s0 =	simm.s32 @p1 $0x1  }
0x15: {  	[smem:$0x3F9B] =	sst s0;
	s0 =	simm.s32 @!p2 $0x0  }
0x16: {  	s3 =	sld [smem:$0x3FDB];
	s0 =	simm.s32 @p2 $0x1  }
0x17: {  	s4 =	simm.s32 $0x1BF5;
	[smem:$0x3F9D] =	sst s0  }
0x18: {  	s0 =	sld [smem:$0x3F80];
	_ =	swait.ge [sflag:s4], $0x0  }
0x19: {  	s7 =	sld [smem:$0x3F81]  }
0x1a: {  	s8 =	sadd.s32 $0xFFFFE003, lr  }
0x1b: {  	s9 =	sadd.s32 $0xFFFFFEF7, lr;
	s5 =	simm.s32 $0xFFFFFFFF;
	p2 =	slt.u32 s8, $0xFFFFF086  }
0x1c: {  	p1 =	slt.u32 s9, $0xF7A;
	s5 =	simm.s32 @!p2 $0x0  }
0x1d: {  	s5 =	simm.s32 @p1 $0x1;
	p0 =	seq.s32 s7, s2  }
0x1e: {  	s7 =	smul.u32 @!p0 $0xF7A, s2;
	p2 =	seq.s32 @!p0 s5, $0x0  }
0x1f: {  	s9 =	smul.u32 $0xF7A, s1;
	s8 =	simm.s32 @!p0 $0x1BF5;
	p2 =	por !p2, p0  }
0x20: {  	[sflag:s8] =	ssyncset.s32 @!p0 $0xFFFFF086;
	s6 =	sadd.s32 @!p0 s3, s7;
	s7 =	simm.s32 @!p0 $0x108  }
0x21: {  	s3 =	sadd.s32 s3, s9;
	s6 =	sadd.s32 @!p0 $0x88, s6;
	s7 =	simm.s32 @p2 $0x1082  }
0x22: {  	[simem:s7], [sflag:s8] =	dma.local @!p0 [hbm:s6], $0xF7A  }
0x23: {  	s9 =	sor.u32 $0xD0000000, s2;
	s6 =	simm.s32 $0x108;
	_ =	swait.ge @!p0 [sflag:s8], $0x0  }
0x24: {  	s3 =	sadd.s32 $0x88, s3;
	s6 =	simm.s32 @!p1 $0x1082;
	[sflag:s4] =	ssyncset.s32 $0xFFFFF086  }
0x25: {  	[simem:s6], [sflag:s4] =	dma.local [hbm:s3], $0xF7A  }
0x26: {  	[smem:$0x3F81] =	sst s1;
	(tag) =	ssettag s2;
	_ =	strace s9  }
0x27: {  	s1 =	sld [smem:$0x3F91]  }
0x28: {  	s2 =	sld [smem:$0x3F92]  }
0x29: {  	s4 =	sld [smem:$0x3F94]  }
0x2a: {  	p0 =	seq.s32 s5, $0x0;
	s5 =	sld [smem:$0x3F95]  }
0x2b: {  	s6 =	sld [smem:$0x3F96]  }
0x2c: {  	s7 =	sld [smem:$0x3F97]  }
0x2d: {  	s3 =	simm.s32 $0x108;
	s8 =	sld [smem:$0x3F98]  }
0x2e: {  	s3 =	simm.s32 @!p0 $0x1082;
	s9 =	sld [smem:$0x3F99]  }
0x2f: {  	lr =	sadd.s32 s0, s3;
	s0 =	sld [smem:$0x3F90]  }
0x30: {  	s3 =	sld [smem:$0x3F93]  }
0x31: {  	[smem:$0x3F9C] =	sst s10  }
0x32: {  	s10 =	sld [smem:$0x3F9A];
	_ =	sdelay $0x3  }
0x33: {  	p0 =	seq.s32 s10, $0x1;
	s10 =	sld [smem:$0x3F9C];
	_ =	sdelay $0x3  }
0x34: {  	[smem:$0x3F9C] =	sst s10  }
0x35: {  	s10 =	sld [smem:$0x3F9B];
	_ =	sdelay $0x3  }
0x36: {  	p1 =	seq.s32 s10, $0x1;
	s10 =	sld [smem:$0x3F9C];
	_ =	sdelay $0x3  }
0x37: {  	[smem:$0x3F9C] =	sst s10  }
0x38: {  	s10 =	sld [smem:$0x3F9D]  }
0x39: {  	_ = 	snop;
	(pc) =	sbr.ind lr, $3  }
0x3a: {  	_ = 	snop  }
0x3b: {  	_ = 	snop  }
0x3c: {  	p2 =	seq.s32 s10, $0x1;
	s10 =	sld [smem:$0x3F9C]  }
0x3d: {  	_ =	shalt  }
0x3e: {  	_ =	shalt  }
0x3f: {  	_ =	shalt  }
0x40: {  	_ =	shalt  }
0x41: {  	_ =	shalt  }
0x42: {  	_ =	shalt  }
0x43: {  	_ =	shalt  }
0x44: {  	_ =	shalt  }
0x45: {  	_ =	shalt  }
0x46: {  	_ =	shalt  }
0x47: {  	_ =	shalt  }
0x48: {  	_ =	shalt  }
0x49: {  	_ =	shalt  }
0x4a: {  	_ =	shalt  }
0x4b: {  	_ =	shalt  }
0x4c: {  	_ =	shalt  }
0x4d: {  	_ =	shalt  }
0x4e: {  	_ =	shalt  }
0x4f: {  	_ =	shalt  }
0x50: {  	_ =	shalt  }
0x51: {  	_ =	shalt  }
0x52: {  	_ =	shalt  }
0x53: {  	_ =	shalt  }
0x54: {  	_ =	shalt  }
0x55: {  	_ =	shalt  }
0x56: {  	_ =	shalt  }
0x57: {  	_ =	shalt  }
0x58: {  	_ =	shalt  }
0x59: {  	_ =	shalt  }
0x5a: {  	_ =	shalt  }
0x5b: {  	_ =	shalt  }
0x5c: {  	_ =	shalt  }
0x5d: {  	_ =	shalt  }
0x5e: {  	_ =	shalt  }
0x5f: {  	_ =	shalt  }
0x60: {  	_ =	shalt  }
0x61: {  	_ =	shalt  }
0x62: {  	_ =	shalt  }
0x63: {  	_ =	shalt  }
0x64: {  	_ =	shalt  }
0x65: {  	_ =	shalt  }
0x66: {  	_ =	shalt  }
0x67: {  	_ =	shalt  }
0x68: {  	_ =	shalt  }
0x69: {  	_ =	shalt  }
0x6a: {  	_ =	shalt  }
0x6b: {  	_ =	shalt  }
0x6c: {  	_ =	shalt  }
0x6d: {  	_ =	shalt  }
0x6e: {  	_ =	shalt  }
0x6f: {  	_ =	shalt  }
0x70: {  	_ =	shalt  }
0x71: {  	_ =	shalt  }
0x72: {  	_ =	shalt  }
0x73: {  	_ =	shalt  }
0x74: {  	_ =	shalt  }
0x75: {  	_ =	shalt  }
0x76: {  	_ =	shalt  }
0x77: {  	_ =	shalt  }
0x78: {  	_ =	shalt  }
0x79: {  	_ =	shalt  }
0x7a: {  	_ =	shalt  }
0x7b: {  	_ =	shalt  }
0x7c: {  	_ =	shalt  }
0x7d: {  	_ =	shalt  }
0x7e: {  	_ =	shalt  }
0x7f: {  	_ =	shalt  }
0x80: {  	_ =	shalt  }
0x81: {  	_ =	shalt  }
0x82: {  	_ =	shalt  }
0x83: {  	_ =	shalt  }
0x84: {  	_ =	shalt  }
0x85: {  	_ =	shalt  }
0x86: {  	_ =	shalt  }
0x87: {  	_ =	shalt  }
.Lfunc_end0:
.L_simem_size_0:
called_computation.3_lowered:
.L_overlay_start_0:
0x88: {  	s2 =	sld [smem:$0x3FD9]  }
0x89: {  	s3 =	sld [smem:$0x3FFE];
	_ =	sdelay $0x1  }
0x8a: {  	s1 =	srdreg.scid  }
0x8b: {  	s0 =	sand.u32 $0x1, s1  }
0x8c: {  	s16 =	sshll.u32 s0, $0xA;
	s2 =	sadd.s32 s3, s2  }
0x8d: {  	s2 =	sadd.s32 s2, s16  }
0x8e: {  	[smem:$0x3FA8] =	sst s2  }
0x8f: {  	_ = 	snop  }
0x90: {  	(tm) =	ssettm $0x1  }
0x91: {  	s17 =	sld [smem:$0x3FFB];
	_ =	sdelay $0x3  }
0x92: {  	_ =	strace s17  }
0x93: {  	s2 =	sld [smem:$0x3FFC];
	_ =	sdelay $0x3  }
0x94: {  	_ =	strace s2  }
0x95: {  	s2 =	sld [smem:$0x3FFD];
	_ =	sdelay $0x3  }
0x96: {  	_ =	strace s2  }
0x97: {  	_ =	strace $0x8FFFFFFF  }
0x98: {  	s18 =	sld [smem:$0x3FDB];
	_ =	sdelay $0x1  }
0x99: {  	s19 =	simm.s32 $_scs_section_size  }
0x9a: {  	s4 =	simm.s32 $_size__tile_overlayer_lowered;
	s5 =	simm.s32 $_tile_overlayer_lowered  }
0x9b: {  	s22 =	simm.s32 $0x1BFF;
	s21 =	sshll.u32 s5, $0x1;
	s2 =	sadd.s32 s19, s18  }
0x9c: {  	s6 =	simm.s32 $0x0;
	s20 =	sshll.u32 s4, $0x1;
	s4 =	sadd.s32 s21, s2  }
0x9d: {  	[timem:s6], [sflag:s22] =	dma.local [hbm:s4], s20  }
0x9e: {  	_ =	swait.ge [sflag:s22], s20  }
0x9f: {  	s3 =	ssub.s32 $0x0, s20;
	[sflag:s22] =	ssyncset.done $0x0  }
0xa0: {  	[sflag:s22] =	ssyncadd.s32 s3;
	_ =	sdelay $0x1  }
0xa1: {  	s23 =	simm.s32 $0x1B8B  }
0xa2: {  	_ =	swait.ge [sflag:s23], $0x1  }
0xa3: {  	[sflag:s23] =	ssyncset.done $0x0  }
0xa4: {  	s25 =	simm.s32 $0x1B8E;
	s24 =	sld [smem:$0x3FFE];
	[sflag:s23] =	ssyncadd.s32 $0xFFFFFFFF  }
0xa5: {  	s26 =	simm.s32 $execute0_lowered;
	[smem:$0x3FD2] =	sst s25  }
0xa6: {  	s4 =	sshll.u32 s26, $0x1;
	_ =	strace $0x8000004F;
	[dreg:$0x1] =	wrdreg $0xFFFFFFFF  }
0xa7: {  	s28 =	simm.s32 $_size_execute0_lowered;
	s2 =	sadd.s32 s2, s4;
	[dreg:$0x0] =	wrdreg $0x0  }
0xa8: {  	s4 =	sshll.u32 s28, $0x1;
	[dreg:$0x2] =	wrdreg s2  }
0xa9: {  	[dreg:$0x3] =	wrdreg s4  }
0xaa: {  	[dreg:$0x4] =	wrdreg $0xC0  }
0xab: {  	_ =	task [dreg:s6], $0x5FFFF  }
0xac: {  	[dreg:$0x1] =	wrdreg $0xFFFFFFFF  }
0xad: {  	[dreg:$0x0] =	wrdreg $0x60  }
0xae: {  	[dreg:$0x2] =	wrdreg s24  }
0xaf: {  	[dreg:$0x3] =	wrdreg $0x9  }
0xb0: {  	_ =	task.clear_ibuf [dreg:s6], $0x4FFFF;
	_ =	strace $0x9000004F  }
0xb1: {  	s29 =	simm.s32 $0x9;
	_ =	strace $0x80000051  }
0xb2: {  	_ =	swait.ge [sflag:s29], $0x1  }
0xb3: {  	[sflag:s29] =	ssyncadd.s32 $0xFFFFFFFF  }
0xb4: {  	_ =	strace $0x90000051  }
0xb5: {  	_ =	sfence  }
0xb6: {  	s30 =	sld [smem:$0x0];
	_ =	sdelay $0x2  }
0xb7: {  	s31 =	sshll.u32 s1, $0xD;
	s1 =	sshrl.u32 s1, $0x2  }
0xb8: {  	s3 =	sand.u32 $0x4000, s31;
	s1 =	sadd.s32 s1, s30  }
0xb9: {  	s0 =	sor.u32 s3, s0;
	s1 =	sshll.u32 s1, $0x11  }
0xba: {  	s0 =	sor.u32 s1, s0  }
0xbb: {  	s0 =	sadd.s32 $0x8F2B, s0  }
0xbc: {  	[sflag:s0] =	ssyncadd.remote.s32 $0x1  }
0xbd: {  	_ =	sfence.sel $0xFFFF  }
0xbe: {  	[dreg:$0x0] =	wrdreg $0xFFFFFFFF;
	(pc) =	sbr.abs _section_cstart, $3  }
0xbf: {  	[dreg:$0x1] =	wrdreg $0xFFFFFFFF  }
0xc0: {  	_ =	task.clear_ibuf [dreg:s6], $0x2FFFF;
	_ =	strace $0x9FFFFFFF  }
0xc1: {  	(tm) =	ssettm $0x7FFFFFFF  }
tec
execute0_lowered:
.L_overlay_start_1:
0x0: {  	(tag) =	ssettag $0x1  }
0x1: {  	s7 =	rddreg [dreg:$0x0]  }
0x2: {  	s0 =	rddreg [dreg:$0x1];
	_ =	strace $0x80000050  }
0x3: {  	s1 =	srdreg.scid;
	s4 =	simm.s32 $0x1;
	s9 =	simm.s32 $0x3  }
0x4: {  	s12 =	simm.s32 $0x0;
	s10 =	simm.s32 $0x0;
	s5 =	sshll.u32 s1, $0x4  }
.Ltmp0:
0x5: {  	s1 =	stileid.u32;
	s5 =	sand.u32 $0x10, s5;
	(pc) =	sbr.rel .LBB2_1-.Ltmp0, $4  }
0x6: {  	s2 =	sadd.s32 $0x5400, s7;
	s3 =	sadd.s32 $0x4B1C00, s7;
	s6 =	sor.u32 s1, s5  }
0x7: {  	[sflag:s4] =	ssyncpa.u1 $0x0;
	s5 =	simm.s32 $0x2;
	s6 =	sshll.u32 s6, $0x7  }
0x8: {  	s7 =	sadd.s32 $0x2C600, s7;
	[sflag:s5] =	ssyncpa.u1 $0x0;
	s8 =	sadd.s32 $0x80, s6  }
0x9: {  	vm0 =	vmmov $0xff;
	vm1 =	vcmask $0x3F20;
	[sflag:s9] =	ssyncpa.u1 $0x0;
	s9 =	simm.s32 $0x80;
	s11 =	smov.u32 s6  }
.LBB2_9:
0xa: {  	p0 =	seq.s32 s10, $0x2  }
.Ltmp1:
0xb: {  	_ = 	snop;
	(pc) =	sbr.rel @p0 .LBB2_11-.Ltmp1, $1  }
0xc: {  	_ =	sdelay $0x3  }
.LBB2_10:
0xd: {  	s12 =	sadd.s32 $0x80, s11  }
0xe: {  	s13 =	smov.u32 s6;
	p0 =	slt.s32 s12, s8  }
0xf: {  	s13 =	smov.u32 @p0 s12  }
0x10: {  	s10 =	sadd.s32 $0x1, s10;
	s12 =	smov.u32 s11;
	s11 =	smov.u32 s13  }
.LBB2_1:
0x11: {  	p0 =	sne.s32 s10, $0x0  }
.Ltmp2:
0x12: {  	_ = 	snop;
	(pc) =	sbr.rel @!p0 .LBB2_2-.Ltmp2, $1  }
0x13: {  	_ =	sdelay $0x3  }
0x14: {  	s13 =	sand.u32 $0x1, s10  }
0x15: {  	p0 =	seq.s32 s13, $0x0  }
.Ltmp3:
0x16: {  	_ = 	snop;
	(pc) =	sbr.rel @p0 .LBB2_9-.Ltmp3, $1  }
0x17: {  	_ =	sdelay $0x3  }
0x18: {  	_ =	swait.ge [sflag:s5], $0x80  }
0x19: {  	[sflag:s5] =	ssyncset.done $0x0  }
0x1a: {  	s13 =	simm.s32 $0x0;
	[sflag:s5] =	ssyncadd.s32 $0xFFFFFF80  }
0x1b: {  	v0 =	vld.msk [tilespmem:s13+$0x80 ss:$0x1], $0xffff;
	_ =	sdelay $0x4  }
0x1c: {  	vm2 =	vgt.s32 v0, $0x0  }
0x1d: {  	v0 =	vnsel vm2, $0x0, v0  }
0x1e: {  	v0 =	vmin.u32 v0, $0x270F  }
0x1f: {  	v0 =	vshll.u32 v0, $0x4;
	_ =	sdelay $0x3  }
0x20: {  	s13 =	simm.s32 $0x4100  }
0x21: {  	[tilespmem:s13], [sflag:$0x1] =	stream.indirect_vreg.gather [hbm:s2], $0x80, v0, vm0, $0x38;
	[tilespmem:$0x8100] =	vst v63  }
0x22: {  	s14 =	simm.s32 $0x4500;
	s31 =	simm.s32 $0x10  }
0x23: {  	[tilespmem:s14], [sflag:$0x1] =	stream.indirect_vreg.gather [hbm:s2], $0x80, v0, vm1, $0x38;
	[tilespmem:$0x8100] =	vst v63  }
0x24: {  	s14 =	simm.s32 $0x80;
	v0 =	vld.msk [tilespmem:s31+$0x80 ss:$0x1], $0xffff  }
.LBB2_5:
0x25: {  	p0 =	sne.s32 s14, $0x1C0;
	_ =	sdelay $0x4  }
0x26: {  	vm2 =	vgt.s32 v0, $0x0  }
0x27: {  	v0 =	vnsel vm2, $0x0, v0  }
0x28: {  	v0 =	vmin.u32 v0, $0x270F  }
0x29: {  	v0 =	vshll.u32 v0, $0x4;
	_ =	sdelay $0x3  }
.Ltmp4:
0x2a: {  	s13 =	sadd.s32 $0x800, s13;
	(pc) =	sbr.rel @p0 .LBB2_5-.Ltmp4, $4  }
0x2b: {  	[tilespmem:s13], [sflag:$0x1] =	stream.indirect_vreg.gather [hbm:s2], $0x80, v0, vm0, $0x38;
	[tilespmem:$0x8100] =	vst v63  }
0x2c: {  	s15 =	sshra.s32 s14, $0x2;
	s16 =	sadd.s32 $0x400, s13  }
0x2d: {  	[tilespmem:s16], [sflag:$0x1] =	stream.indirect_vreg.gather [hbm:s2], $0x80, v0, vm1, $0x38;
	[tilespmem:$0x8100] =	vst v63  }
0x2e: {  	s14 =	sadd.s32 $0x40, s14;
	v0 =	vld.msk [tilespmem:s15+$0x80 ss:$0x1], $0xffff  }
0x2f: {  	_ =	sdelay $0x3  }
0x30: {  	vm2 =	vgt.s32 v0, $0x0  }
0x31: {  	v0 =	vnsel vm2, $0x0, v0  }
0x32: {  	v0 =	vmin.u32 v0, $0x270F  }
0x33: {  	v0 =	vshll.u32 v0, $0x4;
	_ =	sdelay $0x3  }
0x34: {  	s13 =	sadd.s32 $0x800, s13  }
0x35: {  	[tilespmem:s13], [sflag:$0x1] =	stream.indirect_vreg.gather [hbm:s2], $0x80, v0, vm0, $0x38;
	[tilespmem:$0x8100] =	vst v63  }
0x36: {  	s13 =	sadd.s32 $0x400, s13  }
0x37: {  	[tilespmem:s13], [sflag:$0x1] =	stream.indirect_vreg.gather [hbm:s2], $0x80, v0, vm1, $0x38;
	[tilespmem:$0x8100] =	vst v63  }
0x38: {  	s12 =	sshll.u32 s12, $0x4;
	s14 =	simm.s32 $0x80;
	_ =	swait.ge [sflag:s4], $0x4000  }
0x39: {  	s15 =	simm.s32 $0x4500;
	s12 =	sadd.s32 s12, s7;
	[sflag:s4] =	ssyncset.done $0x0  }
0x3a: {  	s16 =	sadd.s32 $0x0, s12;
	s13 =	simm.s32 $0x4100;
	[sflag:s4] =	ssyncadd.s32 $0xFFFFC000  }
.LBB2_7:
0x3b: {  	[hbm:s16] =	stream.linear.scatter [tilespmem:s13], [sflag:$0x3], $0x400, $0x38;
	[tilespmem:$0x8100] =	vst v63  }
0x3c: {  	s16 =	smov.u32 s14;
	s13 =	smov.u32 s15;
	p0 =	sne.s32 s14, $0x780  }
.Ltmp5:
0x3d: {  	s14 =	sadd.s32 $0x80, s14;
	(pc) =	sbr.rel @p0 .LBB2_7-.Ltmp5, $2  }
0x3e: {  	_ =	sdelay $0x2  }
0x3f: {  	s15 =	sadd.s32 $0x400, s15;
	s16 =	sadd.s32 s16, s12  }
.Ltmp6:
0x40: {  	(pc) =	sbr.rel .LBB2_9-.Ltmp6, $2  }
0x41: {  	_ =	sdelay $0x2  }
0x42: {  	[hbm:s16] =	stream.linear.scatter [tilespmem:s13], [sflag:$0x3], $0x400, $0x38;
	[tilespmem:$0x8100] =	vst v63  }
.LBB2_2:
.Ltmp7:
0x43: {  	(pc) =	sbr.rel .LBB2_10-.Ltmp7, $4  }
0x44: {  	_ = 	snop  }
0x45: {  	s12 =	sshrl.u32 s11, $0x3  }
0x46: {  	s13 =	sand.u32 $0x7, s11;
	s12 =	sadd.s32 s3, s12  }
0x47: {  	[tilespmem:s9], [sflag:$0x2] =	stream.linear.gather [hbm4b:s12+s13], $0x80, $0x38;
	[tilespmem:$0x8100] =	vst v63  }
.LBB2_11:
0x48: {  	s2 =	simm.s32 $0x3  }
0x49: {  	_ =	swait.ge [sflag:s2], $0x4000  }
0x4a: {  	[sflag:s2] =	ssyncset.done $0x0  }
0x4b: {  	[sflag:s2] =	ssyncadd.s32 $0xFFFFC000  }
0x4c: {  	_ =	sfence.sel $0x180000  }
0x4d: {  	s3 =	simm.s32 $0x2;
	[bflag:$0x0] =	sbarrier.arrive $0xFFFF  }
0x4e: {  	[sflag:s3] =	ssyncpa.u1 $0x1  }
0x4f: {  	s31 =	simm.s32 $0x1;
	[sflag:s2] =	ssyncpa.u1 $0x1  }
0x50: {  	[sflag:s31] =	ssyncpa.u1 $0x1  }
0x51: {  	p0 =	sne.s32 s1, $0x0;
	_ =	strace $0x90000050  }
0x52: {  	s0 =	sadd.s32 @!p0 $0x100000, s0;
	[bflag:$0x2] =	sbarrier.arrive $0xFFFF  }
0x53: {  	[sflag:s0] =	ssyncadd.tile.s32 @!p0 $0x1;
	_ =	shalt  }
.Lfunc_end2:
_tile_overlayer_lowered:
.L_overlay_start_2:
0x54: {  	(tag) =	ssettag $0x2  }
0x55: {  	s0 =	rddreg [dreg:$0x0];
	s2 =	stileid.u32  }
0x56: {  	s1 =	rddreg [dreg:$0x1];
	p0 =	sne.s32 s2, $0x0  }
0x57: {  	s3 =	rddreg [dreg:$0x2];
	[bflag:$0x3] =	sbarrier.arrive $0xFFFF;
	s2 =	simm.s32 @!p0 $0x1C01  }
0x58: {  	[timem:s3], [sflag:s2] =	dma.local @!p0 [hbm:s0], s1  }
0x59: {  	s0 =	simm.s32 @!p0 $0x1  }
0x5a: {  	_ =	swait.ge @!p0 [sflag:s0], s1  }
0x5b: {  	s1 =	ssub.s32 @!p0 $0x0, s1;
	[sflag:s0] =	ssyncset.done @!p0 $0x0  }
0x5c: {  	[sflag:s0] =	ssyncadd.s32 @!p0 s1  }
0x5d: {  	[bflag:$0x3] =	sbarrier.arrive $0xFFFF  }
0x5e: {  	_ =	shalt  }

// kernel: gather_offload_async_start
scs
__scs_entry_jumppad:
0x0: {  	(pc) =	sbr.rel $0x88, $3  }
0x1: {  	(tag) =	ssettag $0x0;
	lr =	simm.s32 $0x1  }
0x2: {  	[smem:$0x3F81] =	sst lr;
	_ =	strace $0xD0000000  }
0x3: {  	_ = 	snop  }
0x4: {  	_ = 	snop  }
0x5: {  	_ = 	snop  }
0x6: {  	_ = 	snop  }
0x7: {  	_ = 	snop  }
__scs_overlays_trampoline_lowered:
0x8: {  	[smem:$0x3F90] =	sst s0  }
0x9: {  	[smem:$0x3F91] =	sst s1  }
0xa: {  	[smem:$0x3F92] =	sst s2  }
0xb: {  	[smem:$0x3F93] =	sst s3  }
0xc: {  	[smem:$0x3F94] =	sst s4  }
0xd: {  	[smem:$0x3F95] =	sst s5  }
0xe: {  	[smem:$0x3F96] =	sst s6  }
0xf: {  	[smem:$0x3F97] =	sst s7  }
0x10: {  	[smem:$0x3F98] =	sst s8  }
0x11: {  	[smem:$0x3F99] =	sst s9;
	s0 =	simm.s32 @!p0 $0x0  }
0x12: {  	s1 =	sld [smem:$0x3F7F];
	s0 =	simm.s32 @p0 $0x1  }
0x13: {  	[smem:$0x3F9A] =	sst s0;
	s0 =	simm.s32 @!p1 $0x0  }
0x14: {  	s2 =	sld [smem:$0x3F7E];
	s0 =	simm.s32 @p1 $0x1  }
0x15: {  	[smem:$0x3F9B] =	sst s0;
	s0 =	simm.s32 @!p2 $0x0  }
0x16: {  	s3 =	sld [smem:$0x3FDB];
	s0 =	simm.s32 @p2 $0x1  }
0x17: {  	s4 =	simm.s32 $0x1BF5;
	[smem:$0x3F9D] =	sst s0  }
0x18: {  	s0 =	sld [smem:$0x3F80];
	_ =	swait.ge [sflag:s4], $0x0  }
0x19: {  	s7 =	sld [smem:$0x3F81]  }
0x1a: {  	s8 =	sadd.s32 $0xFFFFE003, lr  }
0x1b: {  	s9 =	sadd.s32 $0xFFFFFEF7, lr;
	s5 =	simm.s32 $0xFFFFFFFF;
	p2 =	slt.u32 s8, $0xFFFFF086  }
0x1c: {  	p1 =	slt.u32 s9, $0xF7A;
	s5 =	simm.s32 @!p2 $0x0  }
0x1d: {  	s5 =	simm.s32 @p1 $0x1;
	p0 =	seq.s32 s7, s2  }
0x1e: {  	s7 =	smul.u32 @!p0 $0xF7A, s2;
	p2 =	seq.s32 @!p0 s5, $0x0  }
0x1f: {  	s9 =	smul.u32 $0xF7A, s1;
	s8 =	simm.s32 @!p0 $0x1BF5;
	p2 =	por !p2, p0  }
0x20: {  	[sflag:s8] =	ssyncset.s32 @!p0 $0xFFFFF086;
	s6 =	sadd.s32 @!p0 s3, s7;
	s7 =	simm.s32 @!p0 $0x108  }
0x21: {  	s3 =	sadd.s32 s3, s9;
	s6 =	sadd.s32 @!p0 $0x88, s6;
	s7 =	simm.s32 @p2 $0x1082  }
0x22: {  	[simem:s7], [sflag:s8] =	dma.local @!p0 [hbm:s6], $0xF7A  }
0x23: {  	s9 =	sor.u32 $0xD0000000, s2;
	s6 =	simm.s32 $0x108;
	_ =	swait.ge @!p0 [sflag:s8], $0x0  }
0x24: {  	s3 =	sadd.s32 $0x88, s3;
	s6 =	simm.s32 @!p1 $0x1082;
	[sflag:s4] =	ssyncset.s32 $0xFFFFF086  }
0x25: {  	[simem:s6], [sflag:s4] =	dma.local [hbm:s3], $0xF7A  }
0x26: {  	[smem:$0x3F81] =	sst s1;
	(tag) =	ssettag s2;
	_ =	strace s9  }
0x27: {  	s1 =	sld [smem:$0x3F91]  }
0x28: {  	s2 =	sld [smem:$0x3F92]  }
0x29: {  	s4 =	sld [smem:$0x3F94]  }
0x2a: {  	p0 =	seq.s32 s5, $0x0;
	s5 =	sld [smem:$0x3F95]  }
0x2b: {  	s6 =	sld [smem:$0x3F96]  }
0x2c: {  	s7 =	sld [smem:$0x3F97]  }
0x2d: {  	s3 =	simm.s32 $0x108;
	s8 =	sld [smem:$0x3F98]  }
0x2e: {  	s3 =	simm.s32 @!p0 $0x1082;
	s9 =	sld [smem:$0x3F99]  }
0x2f: {  	lr =	sadd.s32 s0, s3;
	s0 =	sld [smem:$0x3F90]  }
0x30: {  	s3 =	sld [smem:$0x3F93]  }
0x31: {  	[smem:$0x3F9C] =	sst s10  }
0x32: {  	s10 =	sld [smem:$0x3F9A];
	_ =	sdelay $0x3  }
0x33: {  	p0 =	seq.s32 s10, $0x1;
	s10 =	sld [smem:$0x3F9C];
	_ =	sdelay $0x3  }
0x34: {  	[smem:$0x3F9C] =	sst s10  }
0x35: {  	s10 =	sld [smem:$0x3F9B];
	_ =	sdelay $0x3  }
0x36: {  	p1 =	seq.s32 s10, $0x1;
	s10 =	sld [smem:$0x3F9C];
	_ =	sdelay $0x3  }
0x37: {  	[smem:$0x3F9C] =	sst s10  }
0x38: {  	s10 =	sld [smem:$0x3F9D]  }
0x39: {  	_ = 	snop;
	(pc) =	sbr.ind lr, $3  }
0x3a: {  	_ = 	snop  }
0x3b: {  	_ = 	snop  }
0x3c: {  	p2 =	seq.s32 s10, $0x1;
	s10 =	sld [smem:$0x3F9C]  }
0x3d: {  	_ =	shalt  }
0x3e: {  	_ =	shalt  }
0x3f: {  	_ =	shalt  }
0x40: {  	_ =	shalt  }
0x41: {  	_ =	shalt  }
0x42: {  	_ =	shalt  }
0x43: {  	_ =	shalt  }
0x44: {  	_ =	shalt  }
0x45: {  	_ =	shalt  }
0x46: {  	_ =	shalt  }
0x47: {  	_ =	shalt  }
0x48: {  	_ =	shalt  }
0x49: {  	_ =	shalt  }
0x4a: {  	_ =	shalt  }
0x4b: {  	_ =	shalt  }
0x4c: {  	_ =	shalt  }
0x4d: {  	_ =	shalt  }
0x4e: {  	_ =	shalt  }
0x4f: {  	_ =	shalt  }
0x50: {  	_ =	shalt  }
0x51: {  	_ =	shalt  }
0x52: {  	_ =	shalt  }
0x53: {  	_ =	shalt  }
0x54: {  	_ =	shalt  }
0x55: {  	_ =	shalt  }
0x56: {  	_ =	shalt  }
0x57: {  	_ =	shalt  }
0x58: {  	_ =	shalt  }
0x59: {  	_ =	shalt  }
0x5a: {  	_ =	shalt  }
0x5b: {  	_ =	shalt  }
0x5c: {  	_ =	shalt  }
0x5d: {  	_ =	shalt  }
0x5e: {  	_ =	shalt  }
0x5f: {  	_ =	shalt  }
0x60: {  	_ =	shalt  }
0x61: {  	_ =	shalt  }
0x62: {  	_ =	shalt  }
0x63: {  	_ =	shalt  }
0x64: {  	_ =	shalt  }
0x65: {  	_ =	shalt  }
0x66: {  	_ =	shalt  }
0x67: {  	_ =	shalt  }
0x68: {  	_ =	shalt  }
0x69: {  	_ =	shalt  }
0x6a: {  	_ =	shalt  }
0x6b: {  	_ =	shalt  }
0x6c: {  	_ =	shalt  }
0x6d: {  	_ =	shalt  }
0x6e: {  	_ =	shalt  }
0x6f: {  	_ =	shalt  }
0x70: {  	_ =	shalt  }
0x71: {  	_ =	shalt  }
0x72: {  	_ =	shalt  }
0x73: {  	_ =	shalt  }
0x74: {  	_ =	shalt  }
0x75: {  	_ =	shalt  }
0x76: {  	_ =	shalt  }
0x77: {  	_ =	shalt  }
0x78: {  	_ =	shalt  }
0x79: {  	_ =	shalt  }
0x7a: {  	_ =	shalt  }
0x7b: {  	_ =	shalt  }
0x7c: {  	_ =	shalt  }
0x7d: {  	_ =	shalt  }
0x7e: {  	_ =	shalt  }
0x7f: {  	_ =	shalt  }
0x80: {  	_ =	shalt  }
0x81: {  	_ =	shalt  }
0x82: {  	_ =	shalt  }
0x83: {  	_ =	shalt  }
0x84: {  	_ =	shalt  }
0x85: {  	_ =	shalt  }
0x86: {  	_ =	shalt  }
0x87: {  	_ =	shalt  }
.Lfunc_end0:
.L_simem_size_0:
called_computation_lowered:
.L_overlay_start_0:
0x88: {  	s0 =	sld [smem:$0x3FD9]  }
0x89: {  	s1 =	sld [smem:$0x3FFE];
	_ =	sdelay $0x3  }
0x8a: {  	s0 =	sadd.s32 s1, s0  }
0x8b: {  	[smem:$0x3FA8] =	sst s0  }
0x8c: {  	_ = 	snop  }
0x8d: {  	(tm) =	ssettm $0x1  }
0x8e: {  	s15 =	sld [smem:$0x3FFB];
	_ =	sdelay $0x3  }
0x8f: {  	_ =	strace s15  }
0x90: {  	s0 =	sld [smem:$0x3FFC];
	_ =	sdelay $0x3  }
0x91: {  	_ =	strace s0  }
0x92: {  	s0 =	sld [smem:$0x3FFD];
	_ =	sdelay $0x3  }
0x93: {  	_ =	strace s0  }
0x94: {  	_ =	strace $0x8FFFFFFF  }
0x95: {  	s16 =	sld [smem:$0x3FDB];
	_ =	sdelay $0x1  }
0x96: {  	s17 =	simm.s32 $_scs_section_size  }
0x97: {  	s2 =	simm.s32 $_size__tile_overlayer_lowered;
	s3 =	simm.s32 $_tile_overlayer_lowered  }
0x98: {  	s20 =	simm.s32 $0x1BFF;
	s19 =	sshll.u32 s3, $0x1;
	s0 =	sadd.s32 s17, s16  }
0x99: {  	s4 =	simm.s32 $0x0;
	s18 =	sshll.u32 s2, $0x1;
	s2 =	sadd.s32 s19, s0  }
0x9a: {  	[timem:s4], [sflag:s20] =	dma.local [hbm:s2], s18  }
0x9b: {  	_ =	swait.ge [sflag:s20], s18  }
0x9c: {  	s1 =	ssub.s32 $0x0, s18;
	[sflag:s20] =	ssyncset.done $0x0  }
0x9d: {  	[sflag:s20] =	ssyncadd.s32 s1;
	_ =	sdelay $0x1  }
0x9e: {  	s21 =	simm.s32 $0x1B8B  }
0x9f: {  	_ =	swait.ge [sflag:s21], $0x1  }
0xa0: {  	[sflag:s21] =	ssyncset.done $0x0  }
0xa1: {  	s23 =	simm.s32 $0x1B8E;
	s22 =	sld [smem:$0x3FFE];
	[sflag:s21] =	ssyncadd.s32 $0xFFFFFFFF  }
0xa2: {  	s24 =	simm.s32 $execute0_lowered;
	[smem:$0x3FD2] =	sst s23  }
0xa3: {  	s2 =	sshll.u32 s24, $0x1;
	_ =	strace $0x80000046;
	[dreg:$0x1] =	wrdreg $0xFFFFFFFF  }
0xa4: {  	s25 =	simm.s32 $_size_execute0_lowered;
	s0 =	sadd.s32 s0, s2;
	[dreg:$0x0] =	wrdreg $0x0  }
0xa5: {  	s2 =	sshll.u32 s25, $0x1;
	[dreg:$0x2] =	wrdreg s0  }
0xa6: {  	[dreg:$0x3] =	wrdreg s2  }
0xa7: {  	[dreg:$0x4] =	wrdreg $0xC0  }
0xa8: {  	_ =	task [dreg:s4], $0x5FFFF  }
0xa9: {  	[dreg:$0x1] =	wrdreg $0xFFFFFFFF  }
0xaa: {  	[dreg:$0x0] =	wrdreg $0x60  }
0xab: {  	[dreg:$0x2] =	wrdreg s22  }
0xac: {  	[dreg:$0x3] =	wrdreg $0x9  }
0xad: {  	_ =	task.clear_ibuf [dreg:s4], $0x4FFFF;
	_ =	strace $0x90000046  }
0xae: {  	s26 =	simm.s32 $0x9;
	_ =	strace $0x80000048  }
0xaf: {  	_ =	swait.ge [sflag:s26], $0x1  }
0xb0: {  	[sflag:s26] =	ssyncadd.s32 $0xFFFFFFFF  }
0xb1: {  	_ =	strace $0x90000048  }
0xb2: {  	_ =	sfence  }
0xb3: {  	s28 =	sld [smem:$0x0];
	_ =	sdelay $0x1  }
0xb4: {  	s29 =	srdreg.scid  }
0xb5: {  	s30 =	sshll.u32 s29, $0xD;
	s31 =	sshrl.u32 s29, $0x2  }
0xb6: {  	s1 =	sand.u32 $0x1, s29;
	s2 =	sand.u32 $0x4000, s30;
	s0 =	sadd.s32 s31, s28  }
0xb7: {  	s1 =	sor.u32 s2, s1;
	s0 =	sshll.u32 s0, $0x11  }
0xb8: {  	s0 =	sor.u32 s0, s1  }
0xb9: {  	s0 =	sadd.s32 $0x8F2B, s0  }
0xba: {  	[sflag:s0] =	ssyncadd.remote.s32 $0x1  }
0xbb: {  	_ =	sfence.sel $0xFFFF  }
0xbc: {  	[dreg:$0x0] =	wrdreg $0xFFFFFFFF;
	(pc) =	sbr.abs _section_cstart, $3  }
0xbd: {  	[dreg:$0x1] =	wrdreg $0xFFFFFFFF  }
0xbe: {  	_ =	task.clear_ibuf [dreg:s4], $0x2FFFF;
	_ =	strace $0x9FFFFFFF  }
0xbf: {  	(tm) =	ssettm $0x7FFFFFFF  }
tec
execute0_lowered:
.L_overlay_start_1:
0x0: {  	(tag) =	ssettag $0x1  }
0x1: {  	s0 =	stileid.u32  }
0x2: {  	s1 =	smin.u32 s0, $0x9  }
0x3: {  	s1 =	sadd.s32 s0, s1  }
0x4: {  	s2 =	simm.s32 $0x320;
	p0 =	slt.u32 s0, $0x9;
	s1 =	smul.u32 $0x190, s1  }
0x5: {  	s2 =	simm.s32 @!p0 $0x190  }
0x6: {  	s2 =	sadd.s32 s2, s1  }
0x7: {  	s3 =	smin.u32 s2, $0x2710  }
0x8: {  	s7 =	ssub.s32 s3, s1  }
0x9: {  	p0 =	sgt.s32 s7, $0x0  }
0xa: {  	s7 =	simm.s32 @!p0 $0x0  }
0xb: {  	s31 =	sand.u32 $0xFFF0, s7  }
0xc: {  	s2 =	sshrl.u32 s31, $0x4  }
0xd: {  	s4 =	smul.u32 $0xA3E, s2  }
0xe: {  	s9 =	rddreg [dreg:$0x0];
	s6 =	simm.s32 $0x1;
	s11 =	simm.s32 $0x3  }
0xf: {  	s13 =	simm.s32 $0x0;
	s12 =	simm.s32 $0x0;
	s8 =	sshrl.u32 s4, $0x10  }
0x10: {  	s2 =	rddreg [dreg:$0x1];
	_ =	strace $0x80000047;
	s10 =	smul.u32 $0x190, s8  }
.Ltmp0:
0x11: {  	s5 =	sadd.s32 $0x1C8800, s9;
	[sflag:s6] =	ssyncpa.u1 $0x0;
	(pc) =	sbr.rel .LBB2_1-.Ltmp0, $4  }
0x12: {  	s4 =	sadd.s32 $0xA400, s9;
	p0 =	sne.s32 s7, s10;
	s10 =	simm.s32 $0x1  }
0x13: {  	s9 =	sadd.s32 $0x1C8E00, s9;
	s7 =	simm.s32 $0x2;
	s10 =	simm.s32 @!p0 $0x0  }
0x14: {  	[sflag:s7] =	ssyncpa.u1 $0x0;
	p0 =	por $0x0, $0x0;
	s8 =	sadd.s32 s8, s10  }
0x15: {  	vm0 =	vmmov $0xff;
	vm1 =	vcmask $0x3F20;
	[sflag:s11] =	ssyncpa.u1 $0x0;
	s11 =	smov.u32 s1;
	s10 =	sadd.s32 $0x1, s8  }
.LBB2_6:
0x16: {  	[hbm:s17] =	stream.linear.scatter [tilespmem:s14], [sflag:$0x3], $0x400, $0x38;
	[tilespmem:$0x19320] =	vst v63  }
.LBB2_7:
0x17: {  	s13 =	sadd.s32 $0x190, s11  }
0x18: {  	s15 =	smov.u32 s1;
	p2 =	slt.s32 s13, s3  }
0x19: {  	s15 =	smov.u32 @p2 s13;
	p2 =	sne.s32 s12, s10  }
.Ltmp1:
0x1a: {  	p1 =	slt.u32 s12, $0x2;
	(pc) =	sbr.rel @!p2 .LBB2_8-.Ltmp1, $4  }
0x1b: {  	s14 =	simm.s32 @!p1 $0x3  }
0x1c: {  	s16 =	sadd.s32 $0x1, s12;
	_ =	swait.ge @!p1 [sflag:s14], $0xC800  }
0x1d: {  	p0 =	por !p0, !p0;
	s13 =	smov.u32 s11;
	[sflag:s14] =	ssyncset.done @!p1 $0x0  }
0x1e: {  	s12 =	smov.u32 s16;
	s11 =	smov.u32 s15;
	[sflag:s14] =	ssyncadd.s32 @!p1 $0xFFFF3800  }
.LBB2_1:
0x1f: {  	p1 =	sge.u32 s12, s8  }
0x20: {  	s14 =	sxor.u32 @!p1 $0xFFFFFFFF, s12  }
0x21: {  	s14 =	sand.u32 @!p1 $0x1, s14  }
0x22: {  	s14 =	smul.u32 @!p1 $0x640, s14  }
0x23: {  	s31 =	sadd.s32 $0xFFFFFFFF, s12;
	s15 =	sshrl.u32 @!p1 s11, $0x3  }
0x24: {  	s16 =	sand.u32 @!p1 $0x7, s11;
	s15 =	sadd.s32 @!p1 s5, s15;
	s14 =	sshrl.u32 @!p1 s14, $0x2  }
0x25: {  	[tilespmem:s14], [sflag:$0x2] =	stream.linear.gather @!p1 [hbm4b:s15+s16], $0x190, $0x38;
	[tilespmem:$0x19320] =	vst v63  }
0x26: {  	p1 =	sge.u32 s31, s8  }
.Ltmp2:
0x27: {  	_ = 	snop;
	(pc) =	sbr.rel @p1 .LBB2_7-.Ltmp2, $1  }
0x28: {  	_ =	sdelay $0x3  }
0x29: {  	s14 =	simm.s32 $0x1  }
0x2a: {  	s14 =	simm.s32 @!p0 $0x0  }
0x2b: {  	s15 =	smul.u32 $0x640, s14  }
0x2c: {  	_ =	swait.ge [sflag:s7], $0x190  }
0x2d: {  	[sflag:s7] =	ssyncset.done $0x0;
	s16 =	sshrl.u32 s15, $0x2  }
0x2e: {  	[sflag:s7] =	ssyncadd.s32 $0xFFFFFE70;
	s15 =	sadd.s32 $0x0, s16  }
0x2f: {  	v0 =	vld.msk [tilespmem:s15+$0x0 ss:$0x1], $0xffff;
	_ =	sdelay $0x4  }
0x30: {  	vm2 =	vgt.s32 v0, $0x0  }
0x31: {  	v0 =	vnsel vm2, $0x0, v0  }
0x32: {  	v0 =	vmin.u32 v0, $0x1869F  }
0x33: {  	v0 =	vshll.u32 v0, $0x4  }
0x34: {  	s14 =	smul.u32 $0x32000, s14;
	_ =	sdelay $0x1  }
0x35: {  	s14 =	sshrl.u32 s14, $0x2  }
0x36: {  	s14 =	sor.u32 $0x320, s14  }
0x37: {  	[tilespmem:s14], [sflag:$0x1] =	stream.indirect_vreg.gather [hbm:s4], $0x80, v0, vm0, $0x38;
	[tilespmem:$0x19320] =	vst v63  }
0x38: {  	s17 =	sadd.s32 $0x10, s16;
	s15 =	sadd.s32 $0x400, s14  }
0x39: {  	[tilespmem:s15], [sflag:$0x1] =	stream.indirect_vreg.gather [hbm:s4], $0x80, v0, vm1, $0x38;
	[tilespmem:$0x19320] =	vst v63  }
0x3a: {  	s18 =	simm.s32 $0x80;
	v0 =	vld.msk [tilespmem:s17+$0x0 ss:$0x1], $0xffff;
	s17 =	smov.u32 s14  }
.LBB2_3:
0x3b: {  	p1 =	sne.s32 s18, $0x600;
	_ =	sdelay $0x4  }
0x3c: {  	vm2 =	vgt.s32 v0, $0x0  }
0x3d: {  	v0 =	vnsel vm2, $0x0, v0  }
0x3e: {  	v0 =	vmin.u32 v0, $0x1869F  }
0x3f: {  	v0 =	vshll.u32 v0, $0x4;
	_ =	sdelay $0x3  }
.Ltmp3:
0x40: {  	s19 =	sshra.s32 s18, $0x2;
	s17 =	sadd.s32 $0x800, s17;
	(pc) =	sbr.rel @p1 .LBB2_3-.Ltmp3, $4  }
0x41: {  	[tilespmem:s17], [sflag:$0x1] =	stream.indirect_vreg.gather [hbm:s4], $0x80, v0, vm0, $0x38;
	[tilespmem:$0x19320] =	vst v63  }
0x42: {  	s19 =	sadd.s32 s19, s16;
	s20 =	sadd.s32 $0x400, s17  }
0x43: {  	[tilespmem:s20], [sflag:$0x1] =	stream.indirect_vreg.gather [hbm:s4], $0x80, v0, vm1, $0x38;
	[tilespmem:$0x19320] =	vst v63  }
0x44: {  	s18 =	sadd.s32 $0x40, s18;
	v0 =	vld.msk [tilespmem:s19+$0x0 ss:$0x1], $0xffff  }
0x45: {  	_ =	sdelay $0x3  }
0x46: {  	vm2 =	vgt.s32 v0, $0x0  }
0x47: {  	v0 =	vnsel vm2, $0x0, v0  }
0x48: {  	v0 =	vmin.u32 v0, $0x1869F  }
0x49: {  	v0 =	vshll.u32 v0, $0x4;
	_ =	sdelay $0x3  }
0x4a: {  	s16 =	sadd.s32 $0x800, s17  }
0x4b: {  	[tilespmem:s16], [sflag:$0x1] =	stream.indirect_vreg.gather [hbm:s4], $0x80, v0, vm0, $0x38;
	[tilespmem:$0x19320] =	vst v63  }
0x4c: {  	s16 =	sadd.s32 $0x400, s16  }
0x4d: {  	[tilespmem:s16], [sflag:$0x1] =	stream.indirect_vreg.gather [hbm:s4], $0x80, v0, vm1, $0x38;
	[tilespmem:$0x19320] =	vst v63  }
0x4e: {  	s13 =	sshll.u32 s13, $0x4;
	_ =	swait.ge [sflag:s6], $0xC800  }
0x4f: {  	s13 =	sadd.s32 s13, s9;
	[sflag:s6] =	ssyncset.done $0x0  }
0x50: {  	s17 =	sadd.s32 $0x0, s13;
	s16 =	simm.s32 $0x80;
	[sflag:s6] =	ssyncadd.s32 $0xFFFF3800  }
.LBB2_5:
0x51: {  	[hbm:s17] =	stream.linear.scatter [tilespmem:s14], [sflag:$0x3], $0x400, $0x38;
	[tilespmem:$0x19320] =	vst v63  }
0x52: {  	s17 =	smov.u32 s16;
	s14 =	smov.u32 s15;
	p1 =	sne.s32 s16, $0x1880  }
.Ltmp4:
0x53: {  	s16 =	sadd.s32 $0x80, s16;
	(pc) =	sbr.rel @p1 .LBB2_5-.Ltmp4, $2  }
0x54: {  	_ =	sdelay $0x2  }
0x55: {  	s15 =	sadd.s32 $0x400, s15;
	s17 =	sadd.s32 s17, s13  }
.Ltmp5:
0x56: {  	_ = 	snop;
	(pc) =	sbr.rel .LBB2_6-.Ltmp5, $1  }
0x57: {  	_ =	sdelay $0x3  }
.LBB2_8:
0x58: {  	_ =	sfence.sel $0x180000  }
0x59: {  	s1 =	simm.s32 $0x2;
	[bflag:$0x0] =	sbarrier.arrive $0xFFFF  }
0x5a: {  	s30 =	simm.s32 $0x3;
	[sflag:s1] =	ssyncpa.u1 $0x1  }
0x5b: {  	s31 =	simm.s32 $0x1;
	[sflag:s30] =	ssyncpa.u1 $0x1  }
0x5c: {  	[sflag:s31] =	ssyncpa.u1 $0x1  }
0x5d: {  	p0 =	sne.s32 s0, $0x0;
	_ =	strace $0x90000047  }
0x5e: {  	s0 =	sadd.s32 @!p0 $0x100000, s2;
	[bflag:$0x2] =	sbarrier.arrive $0xFFFF  }
0x5f: {  	[sflag:s0] =	ssyncadd.tile.s32 @!p0 $0x1;
	_ =	shalt  }
.Lfunc_end2:
_tile_overlayer_lowered:
.L_overlay_start_2:
0x60: {  	(tag) =	ssettag $0x2  }
0x61: {  	s0 =	rddreg [dreg:$0x0];
	s2 =	stileid.u32  }
0x62: {  	s1 =	rddreg [dreg:$0x1];
	p0 =	sne.s32 s2, $0x0  }
0x63: {  	s3 =	rddreg [dreg:$0x2];
	[bflag:$0x3] =	sbarrier.arrive $0xFFFF;
	s2 =	simm.s32 @!p0 $0x1C01  }
0x64: {  	[timem:s3], [sflag:s2] =	dma.local @!p0 [hbm:s0], s1  }
0x65: {  	s0 =	simm.s32 @!p0 $0x1  }
0x66: {  	_ =	swait.ge @!p0 [sflag:s0], s1  }
0x67: {  	s1 =	ssub.s32 @!p0 $0x0, s1;
	[sflag:s0] =	ssyncset.done @!p0 $0x0  }
0x68: {  	[sflag:s0] =	ssyncadd.s32 @!p0 s1  }
0x69: {  	[bflag:$0x3] =	sbarrier.arrive $0xFFFF  }
0x6a: {  	_ =	shalt  }

</sc_bundles>
